<compile_context>
chip_gen: v7x
topology: tpu7x:2x2x1
jax: 0.10.2.dev20260603
libtpu: 0.0.44.dev20260713+nightly
codegen_flags: <defaults>
</compile_context>

<pallas_src>
import jax
import jax.numpy as jnp
from jax import lax
from jax.experimental import pallas as pl
from jax.experimental.pallas import tpu as pltpu
from jax.experimental.pallas import tpu_sc as plsc

NC = 2
NS = 16
NW = NC * NS

LANES = 16
SUB = 8
NBUF = 8
NPE = 2
PD = 4
UNROLL = 8


def _pe_add(x_hbm, pe_hbm, out_hbm,
            xb0, xb1, xb2, xb3, xb4, xb5, xb6, xb7, pb0, pb1,
            si0, si1, si2, si3, si4, si5, si6, si7,
            so0, so1, so2, so3, so4, so5, so6, so7, sp0, sp1):
    xb = [xb0, xb1, xb2, xb3, xb4, xb5, xb6, xb7]
    pb = [pb0, pb1]
    si = [si0, si1, si2, si3, si4, si5, si6, si7]
    so = [so0, so1, so2, so3, so4, so5, so6, so7]
    sp = [sp0, sp1]

    B, S, D = x_hbm.shape
    rows_w = S // NW
    nsub = rows_w // SUB
    nsteps = nsub * B
    spb = NPE * B
    nbody = nsteps // spb

    c = lax.axis_index("c")
    s = lax.axis_index("s")
    wid = c * NS + s
    base = wid * rows_w

    def in_desc(j, b, k):
        return pltpu.make_async_copy(
            x_hbm.at[b, pl.ds(base + j * SUB, SUB), :], xb[k], si[k])

    def out_desc(j, b, k):
        return pltpu.make_async_copy(
            xb[k], out_hbm.at[b, pl.ds(base + j * SUB, SUB), :], so[k])

    def pe_desc(j, p):
        return pltpu.make_async_copy(
            pe_hbm.at[pl.ds(base + j * SUB, SUB), :], pb[p], sp[p])

    pe_desc(0, 0).start()
    pe_desc(1, 1).start()
    for st in range(PD):
        in_desc(st // B, st % B, st % NBUF).start()

    dshift = D.bit_length() - 1

    def body(t, carry):
        st0 = t * spb
        for u in range(spb):
            st = st0 + u
            j = st // B
            b = u % B
            k = u % NBUF
            p = u // B

            if u == 0:
                pe_desc(j, 0).wait()
            if u == B:
                @pl.when(t * NPE + 2 < nsub)
                def _():
                    pe_desc(t * NPE + 2, 0).start()
                pe_desc(j, 1).wait()

            in_desc(j, b, k).wait()

            x_buf = xb[k]
            pe_buf = pb[p]

            @plsc.parallel_loop(0, SUB * D, step=LANES, unroll=UNROLL)
            def _(i):
                r = lax.shift_right_logical(i, dshift)
                col = pl.multiple_of(lax.bitwise_and(i, D - 1), LANES)
                plsc.addupdate(x_buf.at[r, pl.ds(col, LANES)],
                               pe_buf[r, pl.ds(col, LANES)])

            out_desc(j, b, k).start()

            stp = st - PD
            stn = st + PD
            if u >= PD:
                up = u - PD
                out_desc(stp // B, up % B, up % NBUF).wait()
                un = u - PD
                @pl.when(t < nbody - 1)
                def _():
                    in_desc(stn // B, un % B, un % NBUF).start()
            else:
                up = u + spb - PD
                @pl.when(t > 0)
                def _():
                    out_desc(stp // B, up % B, up % NBUF).wait()
                un = u + PD
                in_desc(stn // B, un % B, un % NBUF).start()

            if u == spb - 1:
                @pl.when(t * NPE + 3 < nsub)
                def _():
                    pe_desc(t * NPE + 3, 1).start()
        return carry

    lax.fori_loop(0, nbody, body, 0)

    for st in range(nsteps - PD, nsteps):
        out_desc(st // B, st % B, (st % spb) % NBUF).wait()


def kernel(x, pe_weight):
    B, S, D = x.shape

    mesh = plsc.VectorSubcoreMesh(
        core_axis_name="c", subcore_axis_name="s", num_cores=NC, num_subcores=NS
    )
    run = pl.kernel(
        _pe_add,
        out_type=jax.ShapeDtypeStruct((B, S, D), jnp.float32),
        mesh=mesh,
        scratch_types=(
            [pltpu.VMEM((SUB, D), jnp.float32) for _ in range(NBUF)]
            + [pltpu.VMEM((SUB, D), jnp.float32) for _ in range(NPE)]
            + [pltpu.SemaphoreType.DMA for _ in range(NBUF * 2 + NPE)]
        ),
    )
    return run(x, pe_weight)

# --- scband reference (transcript-rebuilt; emitter-appended) ---
"""Pipeline reference for scband-learned-positional-encoding-12232066859143 (READ-ONLY COPY).

The authoritative reference and input builder live on the scoring server;
editing this copy changes nothing except your own understanding.
"""

import jax, jax.numpy as jnp
import numpy as np

D_MODEL = 1024
MAX_LEN = 8192
BATCH = 4
SEQ_LEN = 4096


def setup_inputs(seed: int = 0) -> dict:
    key = jax.random.key(seed)
    k_x, k_pe = jax.random.split(key)
    x = jax.random.normal(k_x, (BATCH, SEQ_LEN, D_MODEL), dtype=jnp.float32)
    pe_weight = jax.random.normal(k_pe, (MAX_LEN, D_MODEL), dtype=jnp.float32) * 0.02
    return {"x": x, "pe_weight": pe_weight}


def reference(x, pe_weight):
    seq_len = x.shape[1]
    positions = jnp.arange(seq_len, dtype=jnp.int64 if jax.config.jax_enable_x64 else jnp.int32)
    pos_emb = jnp.take(pe_weight, positions, axis=0)  # (seq_len, d_model)
    out = x + pos_emb[None, :, :]
    # dropout p=0.0 -> identity
    return out

if __name__ == "__main__":
    import jax
    _d = setup_inputs()
    print(jax.jit(kernel)(*tuple(_d.values())))

</pallas_src>

<mosaic_0001>
#map = affine_map<(d0, d1) -> (0, 0, 0)>
#map1 = affine_map<(d0, d1) -> (0, 0)>
module attributes {stable_mosaic.version = 14 : i64} {
  func.func @_pe_add(%arg0: i32, %arg1: i32, %arg2: memref<4x4096x1024xf32, #tpu.memory_space<hbm>>, %arg3: memref<8192x1024xf32, #tpu.memory_space<hbm>>, %arg4: memref<4x4096x1024xf32, #tpu.memory_space<hbm>>, %arg5: memref<8x1024xf32, #tpu.memory_space<vmem>>, %arg6: memref<8x1024xf32, #tpu.memory_space<vmem>>, %arg7: memref<8x1024xf32, #tpu.memory_space<vmem>>, %arg8: memref<8x1024xf32, #tpu.memory_space<vmem>>, %arg9: memref<8x1024xf32, #tpu.memory_space<vmem>>, %arg10: memref<8x1024xf32, #tpu.memory_space<vmem>>, %arg11: memref<8x1024xf32, #tpu.memory_space<vmem>>, %arg12: memref<8x1024xf32, #tpu.memory_space<vmem>>, %arg13: memref<8x1024xf32, #tpu.memory_space<vmem>>, %arg14: memref<8x1024xf32, #tpu.memory_space<vmem>>, %arg15: memref<!tpu.dma_semaphore, #tpu.memory_space<semaphore_mem>>, %arg16: memref<!tpu.dma_semaphore, #tpu.memory_space<semaphore_mem>>, %arg17: memref<!tpu.dma_semaphore, #tpu.memory_space<semaphore_mem>>, %arg18: memref<!tpu.dma_semaphore, #tpu.memory_space<semaphore_mem>>, %arg19: memref<!tpu.dma_semaphore, #tpu.memory_space<semaphore_mem>>, %arg20: memref<!tpu.dma_semaphore, #tpu.memory_space<semaphore_mem>>, %arg21: memref<!tpu.dma_semaphore, #tpu.memory_space<semaphore_mem>>, %arg22: memref<!tpu.dma_semaphore, #tpu.memory_space<semaphore_mem>>, %arg23: memref<!tpu.dma_semaphore, #tpu.memory_space<semaphore_mem>>, %arg24: memref<!tpu.dma_semaphore, #tpu.memory_space<semaphore_mem>>, %arg25: memref<!tpu.dma_semaphore, #tpu.memory_space<semaphore_mem>>, %arg26: memref<!tpu.dma_semaphore, #tpu.memory_space<semaphore_mem>>, %arg27: memref<!tpu.dma_semaphore, #tpu.memory_space<semaphore_mem>>, %arg28: memref<!tpu.dma_semaphore, #tpu.memory_space<semaphore_mem>>, %arg29: memref<!tpu.dma_semaphore, #tpu.memory_space<semaphore_mem>>, %arg30: memref<!tpu.dma_semaphore, #tpu.memory_space<semaphore_mem>>, %arg31: memref<!tpu.dma_semaphore, #tpu.memory_space<semaphore_mem>>, %arg32: memref<!tpu.dma_semaphore, #tpu.memory_space<semaphore_mem>>) attributes {dimension_semantics = [#tpu.dimension_semantics<core_parallel>, #tpu.dimension_semantics<subcore_parallel>], iteration_bounds = array<i64: 2, 16>, scalar_prefetch = 0 : i64, scratch_operands = 28 : i64, tpu.core_type = #tpu.core_type<sc_vector_subcore>, window_params = [{transform_indices = #map}, {transform_indices = #map1}, {transform_indices = #map}]} {
    %mul3A = arith.constant 16 : i32
    %mul3A_0 = arith.muli %arg0, %mul3A : i32
    %add3A = arith.addi %mul3A_0, %arg1 : i32
    %mul3A_1 = arith.constant 128 : i32
    %mul3A_2 = arith.muli %add3A, %mul3A_1 : i32
    %add3A_3 = arith.constant 0 : i32
    %add3A_4 = arith.addi %mul3A_2, %add3A_3 : i32
    %dma_start3A = arith.constant 0 : i32
    %dma_start3A_5 = tpu.memref_slice %arg3[%add3A_4, %dma_start3A] : memref<8192x1024xf32, #tpu.memory_space<hbm>> -> memref<8x1024xf32, #tpu.memory_space<hbm>>
    %dma_start3A_6 = arith.constant 0 : i32
    %dma_start3A_7 = tpu.memref_slice %arg3[%add3A_4, %dma_start3A_6] : memref<8192x1024xf32, #tpu.memory_space<hbm>> -> memref<8x1024xf32, #tpu.memory_space<hbm>>
    tpu.enqueue_dma source(%dma_start3A_7 : memref<8x1024xf32, #tpu.memory_space<hbm>>) target(%arg13 : memref<8x1024xf32, #tpu.memory_space<vmem>>) target_semaphore(%arg31 : memref<!tpu.dma_semaphore, #tpu.memory_space<semaphore_mem>>)
    %add3A_8 = arith.constant 8 : i32
    %add3A_9 = arith.addi %mul3A_2, %add3A_8 : i32
    %dma_start3A_10 = arith.constant 0 : i32
    %dma_start3A_11 = tpu.memref_slice %arg3[%add3A_9, %dma_start3A_10] : memref<8192x1024xf32, #tpu.memory_space<hbm>> -> memref<8x1024xf32, #tpu.memory_space<hbm>>
    %dma_start3A_12 = arith.constant 0 : i32
    %dma_start3A_13 = tpu.memref_slice %arg3[%add3A_9, %dma_start3A_12] : memref<8192x1024xf32, #tpu.memory_space<hbm>> -> memref<8x1024xf32, #tpu.memory_space<hbm>>
    tpu.enqueue_dma source(%dma_start3A_13 : memref<8x1024xf32, #tpu.memory_space<hbm>>) target(%arg14 : memref<8x1024xf32, #tpu.memory_space<vmem>>) target_semaphore(%arg32 : memref<!tpu.dma_semaphore, #tpu.memory_space<semaphore_mem>>)
    %add3A_14 = arith.constant 0 : i32
    %add3A_15 = arith.addi %mul3A_2, %add3A_14 : i32
    %dma_start3A_16 = arith.constant 0 : i32
    %dma_start3A_17 = arith.constant 0 : i32
    %dma_start3A_18 = tpu.memref_slice %arg2[%dma_start3A_16, %add3A_15, %dma_start3A_17] : memref<4x4096x1024xf32, #tpu.memory_space<hbm>> -> memref<1x8x1024xf32, #tpu.memory_space<hbm>>
    %dma_start3A_19 = tpu.memref_squeeze %dma_start3A_18 : memref<1x8x1024xf32, #tpu.memory_space<hbm>> -> memref<8x1024xf32, #tpu.memory_space<hbm>>
    %dma_start3A_20 = arith.constant 0 : i32
    %dma_start3A_21 = tpu.memref_slice %arg2[%dma_start3A_16, %add3A_15, %dma_start3A_20] : memref<4x4096x1024xf32, #tpu.memory_space<hbm>> -> memref<1x8x1024xf32, #tpu.memory_space<hbm>>
    %dma_start3A_22 = tpu.memref_squeeze %dma_start3A_21 : memref<1x8x1024xf32, #tpu.memory_space<hbm>> -> memref<8x1024xf32, #tpu.memory_space<hbm>>
    tpu.enqueue_dma source(%dma_start3A_22 : memref<8x1024xf32, #tpu.memory_space<hbm>>) target(%arg5 : memref<8x1024xf32, #tpu.memory_space<vmem>>) target_semaphore(%arg15 : memref<!tpu.dma_semaphore, #tpu.memory_space<semaphore_mem>>)
    %add3A_23 = arith.constant 0 : i32
    %add3A_24 = arith.addi %mul3A_2, %add3A_23 : i32
    %dma_start3A_25 = arith.constant 1 : i32
    %dma_start3A_26 = arith.constant 0 : i32
    %dma_start3A_27 = tpu.memref_slice %arg2[%dma_start3A_25, %add3A_24, %dma_start3A_26] : memref<4x4096x1024xf32, #tpu.memory_space<hbm>> -> memref<1x8x1024xf32, #tpu.memory_space<hbm>>
    %dma_start3A_28 = tpu.memref_squeeze %dma_start3A_27 : memref<1x8x1024xf32, #tpu.memory_space<hbm>> -> memref<8x1024xf32, #tpu.memory_space<hbm>>
    %dma_start3A_29 = arith.constant 0 : i32
    %dma_start3A_30 = tpu.memref_slice %arg2[%dma_start3A_25, %add3A_24, %dma_start3A_29] : memref<4x4096x1024xf32, #tpu.memory_space<hbm>> -> memref<1x8x1024xf32, #tpu.memory_space<hbm>>
    %dma_start3A_31 = tpu.memref_squeeze %dma_start3A_30 : memref<1x8x1024xf32, #tpu.memory_space<hbm>> -> memref<8x1024xf32, #tpu.memory_space<hbm>>
    tpu.enqueue_dma source(%dma_start3A_31 : memref<8x1024xf32, #tpu.memory_space<hbm>>) target(%arg6 : memref<8x1024xf32, #tpu.memory_space<vmem>>) target_semaphore(%arg16 : memref<!tpu.dma_semaphore, #tpu.memory_space<semaphore_mem>>)
    %add3A_32 = arith.constant 0 : i32
    %add3A_33 = arith.addi %mul3A_2, %add3A_32 : i32
    %dma_start3A_34 = arith.constant 2 : i32
    %dma_start3A_35 = arith.constant 0 : i32
    %dma_start3A_36 = tpu.memref_slice %arg2[%dma_start3A_34, %add3A_33, %dma_start3A_35] : memref<4x4096x1024xf32, #tpu.memory_space<hbm>> -> memref<1x8x1024xf32, #tpu.memory_space<hbm>>
    %dma_start3A_37 = tpu.memref_squeeze %dma_start3A_36 : memref<1x8x1024xf32, #tpu.memory_space<hbm>> -> memref<8x1024xf32, #tpu.memory_space<hbm>>
    %dma_start3A_38 = arith.constant 0 : i32
    %dma_start3A_39 = tpu.memref_slice %arg2[%dma_start3A_34, %add3A_33, %dma_start3A_38] : memref<4x4096x1024xf32, #tpu.memory_space<hbm>> -> memref<1x8x1024xf32, #tpu.memory_space<hbm>>
    %dma_start3A_40 = tpu.memref_squeeze %dma_start3A_39 : memref<1x8x1024xf32, #tpu.memory_space<hbm>> -> memref<8x1024xf32, #tpu.memory_space<hbm>>
    tpu.enqueue_dma source(%dma_start3A_40 : memref<8x1024xf32, #tpu.memory_space<hbm>>) target(%arg7 : memref<8x1024xf32, #tpu.memory_space<vmem>>) target_semaphore(%arg17 : memref<!tpu.dma_semaphore, #tpu.memory_space<semaphore_mem>>)
    %add3A_41 = arith.constant 0 : i32
    %add3A_42 = arith.addi %mul3A_2, %add3A_41 : i32
    %dma_start3A_43 = arith.constant 3 : i32
    %dma_start3A_44 = arith.constant 0 : i32
    %dma_start3A_45 = tpu.memref_slice %arg2[%dma_start3A_43, %add3A_42, %dma_start3A_44] : memref<4x4096x1024xf32, #tpu.memory_space<hbm>> -> memref<1x8x1024xf32, #tpu.memory_space<hbm>>
    %dma_start3A_46 = tpu.memref_squeeze %dma_start3A_45 : memref<1x8x1024xf32, #tpu.memory_space<hbm>> -> memref<8x1024xf32, #tpu.memory_space<hbm>>
    %dma_start3A_47 = arith.constant 0 : i32
    %dma_start3A_48 = tpu.memref_slice %arg2[%dma_start3A_43, %add3A_42, %dma_start3A_47] : memref<4x4096x1024xf32, #tpu.memory_space<hbm>> -> memref<1x8x1024xf32, #tpu.memory_space<hbm>>
    %dma_start3A_49 = tpu.memref_squeeze %dma_start3A_48 : memref<1x8x1024xf32, #tpu.memory_space<hbm>> -> memref<8x1024xf32, #tpu.memory_space<hbm>>
    tpu.enqueue_dma source(%dma_start3A_49 : memref<8x1024xf32, #tpu.memory_space<hbm>>) target(%arg8 : memref<8x1024xf32, #tpu.memory_space<vmem>>) target_semaphore(%arg18 : memref<!tpu.dma_semaphore, #tpu.memory_space<semaphore_mem>>)
    %scan3A = arith.constant 0 : i32
    %scan3A_50 = arith.constant 0 : i32
    %scan3A_51 = arith.constant 8 : i32
    %scan3A_52 = arith.addi %scan3A_50, %scan3A_51 : i32
    %scan3A_53 = arith.constant 1 : i32
    scf.for %scan3A_90 = %scan3A_50 to %scan3A_52 step %scan3A_53  : i32 {
      %mul3A_91 = arith.constant 8 : i32
      %mul3A_92 = arith.muli %scan3A_90, %mul3A_91 : i32
      %add3A_93 = arith.constant 0 : i32
      %add3A_94 = arith.addi %mul3A_92, %add3A_93 : i32
      %jit3A = arith.constant 4 : i32
      %div3A = arith.divsi %add3A_94, %jit3A : i32
      %sign3A = arith.constant 0 : i32
      %sign3A_95 = arith.cmpi sgt, %add3A_94, %sign3A : i32
      %sign3A_96 = arith.extui %sign3A_95 : i1 to i32
      %sign3A_97 = arith.constant 0 : i32
      %sign3A_98 = arith.cmpi slt, %add3A_94, %sign3A_97 : i32
      %sign3A_99 = arith.extui %sign3A_98 : i1 to i32
      %sign3A_100 = arith.subi %sign3A_96, %sign3A_99 : i32
      %sign3A_101 = arith.constant 0 : i32
      %sign3A_102 = arith.cmpi sgt, %jit3A, %sign3A_101 : i32
      %sign3A_103 = arith.extui %sign3A_102 : i1 to i32
      %sign3A_104 = arith.constant 0 : i32
      %sign3A_105 = arith.cmpi slt, %jit3A, %sign3A_104 : i32
      %sign3A_106 = arith.extui %sign3A_105 : i1 to i32
      %sign3A_107 = arith.subi %sign3A_103, %sign3A_106 : i32
      %ne3A = arith.cmpi ne, %sign3A_100, %sign3A_107 : i32
      %rem3A = arith.remsi %add3A_94, %jit3A : i32
      %ne3A_108 = arith.constant 0 : i32
      %ne3A_109 = arith.cmpi ne, %rem3A, %ne3A_108 : i32
      %and3A = arith.andi %ne3A, %ne3A_109 : i1
      %sub3A = arith.constant 1 : i32
      %sub3A_110 = arith.subi %div3A, %sub3A : i32
      %select_n3A = arith.select %and3A, %sub3A_110, %div3A : i32
      %mul3A_111 = arith.constant 8 : i32
      %mul3A_112 = arith.muli %select_n3A, %mul3A_111 : i32
      %add3A_113 = arith.addi %mul3A_2, %mul3A_112 : i32
      %dma_wait3A_114 = arith.constant 0 : i32
      %dma_wait3A_115 = tpu.memref_slice %arg3[%add3A_113, %dma_wait3A_114] : memref<8192x1024xf32, #tpu.memory_space<hbm>> -> memref<8x1024xf32, #tpu.memory_space<hbm>>
      %dma_wait3A_116 = arith.constant 0 : i32
      %dma_wait3A_117 = tpu.memref_slice %arg3[%add3A_113, %dma_wait3A_116] : memref<8192x1024xf32, #tpu.memory_space<hbm>> -> memref<8x1024xf32, #tpu.memory_space<hbm>>
      tpu.wait_dma2 semaphore(%arg31 : memref<!tpu.dma_semaphore, #tpu.memory_space<semaphore_mem>>) src(%dma_wait3A_117 : memref<8x1024xf32, #tpu.memory_space<hbm>>) dst(%arg13 : memref<8x1024xf32, #tpu.memory_space<vmem>>)
      %mul3A_118 = arith.constant 8 : i32
      %mul3A_119 = arith.muli %select_n3A, %mul3A_118 : i32
      %add3A_120 = arith.addi %mul3A_2, %mul3A_119 : i32
      %dma_wait3A_121 = arith.constant 0 : i32
      %dma_wait3A_122 = arith.constant 0 : i32
      %dma_wait3A_123 = tpu.memref_slice %arg2[%dma_wait3A_121, %add3A_120, %dma_wait3A_122] : memref<4x4096x1024xf32, #tpu.memory_space<hbm>> -> memref<1x8x1024xf32, #tpu.memory_space<hbm>>
      %dma_wait3A_124 = tpu.memref_squeeze %dma_wait3A_123 : memref<1x8x1024xf32, #tpu.memory_space<hbm>> -> memref<8x1024xf32, #tpu.memory_space<hbm>>
      %dma_wait3A_125 = arith.constant 0 : i32
      %dma_wait3A_126 = tpu.memref_slice %arg2[%dma_wait3A_121, %add3A_120, %dma_wait3A_125] : memref<4x4096x1024xf32, #tpu.memory_space<hbm>> -> memref<1x8x1024xf32, #tpu.memory_space<hbm>>
      %dma_wait3A_127 = tpu.memref_squeeze %dma_wait3A_126 : memref<1x8x1024xf32, #tpu.memory_space<hbm>> -> memref<8x1024xf32, #tpu.memory_space<hbm>>
      tpu.wait_dma2 semaphore(%arg15 : memref<!tpu.dma_semaphore, #tpu.memory_space<semaphore_mem>>) src(%dma_wait3A_127 : memref<8x1024xf32, #tpu.memory_space<hbm>>) dst(%arg5 : memref<8x1024xf32, #tpu.memory_space<vmem>>)
      %parallel_loop3A = arith.constant 0 : i32
      %parallel_loop3A_128 = arith.constant 8192 : i32
      %parallel_loop3A_129 = arith.constant 16 : i32
      scf.for %parallel_loop3A_848 = %parallel_loop3A to %parallel_loop3A_128 step %parallel_loop3A_129  : i32 {
        %parallel_loop3A_849 = arith.constant 10 : i32
        %parallel_loop3A_850 = arith.shrui %parallel_loop3A_848, %parallel_loop3A_849 : i32
        %parallel_loop3A_851 = arith.constant 1023 : i32
        %parallel_loop3A_852 = arith.andi %parallel_loop3A_848, %parallel_loop3A_851 : i32
        %parallel_loop3A_853 = tpu.assume_multiple %parallel_loop3A_852, 16 : i32
        %parallel_loop3A_854 = arith.index_cast %parallel_loop3A_850 : i32 to index
        %parallel_loop3A_855 = arith.index_cast %parallel_loop3A_853 : i32 to index
        %parallel_loop3A_856 = tpu.vector_load %arg13[%parallel_loop3A_854, %parallel_loop3A_855] {strides = array<i32>} : memref<8x1024xf32, #tpu.memory_space<vmem>>, vector<1x16xf32>,
        %parallel_loop3A_857 = vector.shape_cast %parallel_loop3A_856 : vector<1x16xf32> to vector<16xf32>
        %parallel_loop3A_858 = arith.index_cast %parallel_loop3A_850 : i32 to index
        %parallel_loop3A_859 = arith.index_cast %parallel_loop3A_853 : i32 to index
        %parallel_loop3A_860 = tpu.vector_load %arg5[%parallel_loop3A_858, %parallel_loop3A_859] {strides = array<i32>} : memref<8x1024xf32, #tpu.memory_space<vmem>>, vector<1x16xf32>,
        %parallel_loop3A_861 = vector.shape_cast %parallel_loop3A_860 : vector<1x16xf32> to vector<16xf32>
        %parallel_loop3A_862 = vector.shape_cast %parallel_loop3A_857 : vector<16xf32> to vector<1x16xf32>
        tpu.vector_store %arg5[%parallel_loop3A_858, %parallel_loop3A_859], %parallel_loop3A_862 {add = true, strides = array<i32>} : memref<8x1024xf32, #tpu.memory_space<vmem>>, vector<1x16xf32>,
      } {sc.loop_unroll_factor = 8 : i64, sc.parallel_access}
      %mul3A_130 = arith.constant 8 : i32
      %mul3A_131 = arith.muli %select_n3A, %mul3A_130 : i32
      %add3A_132 = arith.addi %mul3A_2, %mul3A_131 : i32
      %dma_start3A_133 = arith.constant 0 : i32
      %dma_start3A_134 = arith.constant 0 : i32
      %dma_start3A_135 = tpu.memref_slice %arg4[%dma_start3A_133, %add3A_132, %dma_start3A_134] : memref<4x4096x1024xf32, #tpu.memory_space<hbm>> -> memref<1x8x1024xf32, #tpu.memory_space<hbm>>
      %dma_start3A_136 = tpu.memref_squeeze %dma_start3A_135 : memref<1x8x1024xf32, #tpu.memory_space<hbm>> -> memref<8x1024xf32, #tpu.memory_space<hbm>>
      %dma_start3A_137 = arith.constant 0 : i32
      %dma_start3A_138 = tpu.memref_slice %arg4[%dma_start3A_133, %add3A_132, %dma_start3A_137] : memref<4x4096x1024xf32, #tpu.memory_space<hbm>> -> memref<1x8x1024xf32, #tpu.memory_space<hbm>>
      %dma_start3A_139 = tpu.memref_squeeze %dma_start3A_138 : memref<1x8x1024xf32, #tpu.memory_space<hbm>> -> memref<8x1024xf32, #tpu.memory_space<hbm>>
      tpu.enqueue_dma source(%arg5 : memref<8x1024xf32, #tpu.memory_space<vmem>>) target(%dma_start3A_139 : memref<8x1024xf32, #tpu.memory_space<hbm>>) target_semaphore(%arg23 : memref<!tpu.dma_semaphore, #tpu.memory_space<semaphore_mem>>)
      %sub3A_140 = arith.constant 4 : i32
      %sub3A_141 = arith.subi %add3A_94, %sub3A_140 : i32
      %add3A_142 = arith.constant 4 : i32
      %add3A_143 = arith.addi %add3A_94, %add3A_142 : i32
      %gt3A = arith.constant 0 : i32
      %gt3A_144 = arith.cmpi sgt, %scan3A_90, %gt3A : i32
      %convert_element_type3A = arith.extui %gt3A_144 : i1 to i32
      %cond3A = arith.constant 0 : i32
      %cond3A_145 = arith.cmpi ne, %convert_element_type3A, %cond3A : i32
      scf.if %cond3A_145 {
        %jit3A_848 = arith.constant 4 : i32
        %div3A_849 = arith.divsi %sub3A_141, %jit3A_848 : i32
        %sign3A_850 = arith.constant 0 : i32
        %sign3A_851 = arith.cmpi sgt, %sub3A_141, %sign3A_850 : i32
        %sign3A_852 = arith.extui %sign3A_851 : i1 to i32
        %sign3A_853 = arith.constant 0 : i32
        %sign3A_854 = arith.cmpi slt, %sub3A_141, %sign3A_853 : i32
        %sign3A_855 = arith.extui %sign3A_854 : i1 to i32
        %sign3A_856 = arith.subi %sign3A_852, %sign3A_855 : i32
        %sign3A_857 = arith.constant 0 : i32
        %sign3A_858 = arith.cmpi sgt, %jit3A_848, %sign3A_857 : i32
        %sign3A_859 = arith.extui %sign3A_858 : i1 to i32
        %sign3A_860 = arith.constant 0 : i32
        %sign3A_861 = arith.cmpi slt, %jit3A_848, %sign3A_860 : i32
        %sign3A_862 = arith.extui %sign3A_861 : i1 to i32
        %sign3A_863 = arith.subi %sign3A_859, %sign3A_862 : i32
        %ne3A_864 = arith.cmpi ne, %sign3A_856, %sign3A_863 : i32
        %rem3A_865 = arith.remsi %sub3A_141, %jit3A_848 : i32
        %ne3A_866 = arith.constant 0 : i32
        %ne3A_867 = arith.cmpi ne, %rem3A_865, %ne3A_866 : i32
        %and3A_868 = arith.andi %ne3A_864, %ne3A_867 : i1
        %sub3A_869 = arith.constant 1 : i32
        %sub3A_870 = arith.subi %div3A_849, %sub3A_869 : i32
        %select_n3A_871 = arith.select %and3A_868, %sub3A_870, %div3A_849 : i32
        %mul3A_872 = arith.constant 8 : i32
        %mul3A_873 = arith.muli %select_n3A_871, %mul3A_872 : i32
        %add3A_874 = arith.addi %mul3A_2, %mul3A_873 : i32
        %dma_wait3A_875 = arith.constant 0 : i32
        %dma_wait3A_876 = arith.constant 0 : i32
        %dma_wait3A_877 = tpu.memref_slice %arg4[%dma_wait3A_875, %add3A_874, %dma_wait3A_876] : memref<4x4096x1024xf32, #tpu.memory_space<hbm>> -> memref<1x8x1024xf32, #tpu.memory_space<hbm>>
        %dma_wait3A_878 = tpu.memref_squeeze %dma_wait3A_877 : memref<1x8x1024xf32, #tpu.memory_space<hbm>> -> memref<8x1024xf32, #tpu.memory_space<hbm>>
        %dma_wait3A_879 = arith.constant 0 : i32
        %dma_wait3A_880 = tpu.memref_slice %arg4[%dma_wait3A_875, %add3A_874, %dma_wait3A_879] : memref<4x4096x1024xf32, #tpu.memory_space<hbm>> -> memref<1x8x1024xf32, #tpu.memory_space<hbm>>
        %dma_wait3A_881 = tpu.memref_squeeze %dma_wait3A_880 : memref<1x8x1024xf32, #tpu.memory_space<hbm>> -> memref<8x1024xf32, #tpu.memory_space<hbm>>
        tpu.wait_dma2 semaphore(%arg27 : memref<!tpu.dma_semaphore, #tpu.memory_space<semaphore_mem>>) src(%arg9 : memref<8x1024xf32, #tpu.memory_space<vmem>>) dst(%dma_wait3A_881 : memref<8x1024xf32, #tpu.memory_space<hbm>>)
      } else {
      }
      %jit3A_146 = arith.constant 4 : i32
      %div3A_147 = arith.divsi %add3A_143, %jit3A_146 : i32
      %sign3A_148 = arith.constant 0 : i32
      %sign3A_149 = arith.cmpi sgt, %add3A_143, %sign3A_148 : i32
      %sign3A_150 = arith.extui %sign3A_149 : i1 to i32
      %sign3A_151 = arith.constant 0 : i32
      %sign3A_152 = arith.cmpi slt, %add3A_143, %sign3A_151 : i32
      %sign3A_153 = arith.extui %sign3A_152 : i1 to i32
      %sign3A_154 = arith.subi %sign3A_150, %sign3A_153 : i32
      %sign3A_155 = arith.constant 0 : i32
      %sign3A_156 = arith.cmpi sgt, %jit3A_146, %sign3A_155 : i32
      %sign3A_157 = arith.extui %sign3A_156 : i1 to i32
      %sign3A_158 = arith.constant 0 : i32
      %sign3A_159 = arith.cmpi slt, %jit3A_146, %sign3A_158 : i32
      %sign3A_160 = arith.extui %sign3A_159 : i1 to i32
      %sign3A_161 = arith.subi %sign3A_157, %sign3A_160 : i32
      %ne3A_162 = arith.cmpi ne, %sign3A_154, %sign3A_161 : i32
      %rem3A_163 = arith.remsi %add3A_143, %jit3A_146 : i32
      %ne3A_164 = arith.constant 0 : i32
      %ne3A_165 = arith.cmpi ne, %rem3A_163, %ne3A_164 : i32
      %and3A_166 = arith.andi %ne3A_162, %ne3A_165 : i1
      %sub3A_167 = arith.constant 1 : i32
      %sub3A_168 = arith.subi %div3A_147, %sub3A_167 : i32
      %select_n3A_169 = arith.select %and3A_166, %sub3A_168, %div3A_147 : i32
      %mul3A_170 = arith.constant 8 : i32
      %mul3A_171 = arith.muli %select_n3A_169, %mul3A_170 : i32
      %add3A_172 = arith.addi %mul3A_2, %mul3A_171 : i32
      %dma_start3A_173 = arith.constant 0 : i32
      %dma_start3A_174 = arith.constant 0 : i32
      %dma_start3A_175 = tpu.memref_slice %arg2[%dma_start3A_173, %add3A_172, %dma_start3A_174] : memref<4x4096x1024xf32, #tpu.memory_space<hbm>> -> memref<1x8x1024xf32, #tpu.memory_space<hbm>>
      %dma_start3A_176 = tpu.memref_squeeze %dma_start3A_175 : memref<1x8x1024xf32, #tpu.memory_space<hbm>> -> memref<8x1024xf32, #tpu.memory_space<hbm>>
      %dma_start3A_177 = arith.constant 0 : i32
      %dma_start3A_178 = tpu.memref_slice %arg2[%dma_start3A_173, %add3A_172, %dma_start3A_177] : memref<4x4096x1024xf32, #tpu.memory_space<hbm>> -> memref<1x8x1024xf32, #tpu.memory_space<hbm>>
      %dma_start3A_179 = tpu.memref_squeeze %dma_start3A_178 : memref<1x8x1024xf32, #tpu.memory_space<hbm>> -> memref<8x1024xf32, #tpu.memory_space<hbm>>
      tpu.enqueue_dma source(%dma_start3A_179 : memref<8x1024xf32, #tpu.memory_space<hbm>>) target(%arg9 : memref<8x1024xf32, #tpu.memory_space<vmem>>) target_semaphore(%arg19 : memref<!tpu.dma_semaphore, #tpu.memory_space<semaphore_mem>>)
      %add3A_180 = arith.constant 1 : i32
      %add3A_181 = arith.addi %mul3A_92, %add3A_180 : i32
      %jit3A_182 = arith.constant 4 : i32
      %div3A_183 = arith.divsi %add3A_181, %jit3A_182 : i32
      %sign3A_184 = arith.constant 0 : i32
      %sign3A_185 = arith.cmpi sgt, %add3A_181, %sign3A_184 : i32
      %sign3A_186 = arith.extui %sign3A_185 : i1 to i32
      %sign3A_187 = arith.constant 0 : i32
      %sign3A_188 = arith.cmpi slt, %add3A_181, %sign3A_187 : i32
      %sign3A_189 = arith.extui %sign3A_188 : i1 to i32
      %sign3A_190 = arith.subi %sign3A_186, %sign3A_189 : i32
      %sign3A_191 = arith.constant 0 : i32
      %sign3A_192 = arith.cmpi sgt, %jit3A_182, %sign3A_191 : i32
      %sign3A_193 = arith.extui %sign3A_192 : i1 to i32
      %sign3A_194 = arith.constant 0 : i32
      %sign3A_195 = arith.cmpi slt, %jit3A_182, %sign3A_194 : i32
      %sign3A_196 = arith.extui %sign3A_195 : i1 to i32
      %sign3A_197 = arith.subi %sign3A_193, %sign3A_196 : i32
      %ne3A_198 = arith.cmpi ne, %sign3A_190, %sign3A_197 : i32
      %rem3A_199 = arith.remsi %add3A_181, %jit3A_182 : i32
      %ne3A_200 = arith.constant 0 : i32
      %ne3A_201 = arith.cmpi ne, %rem3A_199, %ne3A_200 : i32
      %and3A_202 = arith.andi %ne3A_198, %ne3A_201 : i1
      %sub3A_203 = arith.constant 1 : i32
      %sub3A_204 = arith.subi %div3A_183, %sub3A_203 : i32
      %select_n3A_205 = arith.select %and3A_202, %sub3A_204, %div3A_183 : i32
      %mul3A_206 = arith.constant 8 : i32
      %mul3A_207 = arith.muli %select_n3A_205, %mul3A_206 : i32
      %add3A_208 = arith.addi %mul3A_2, %mul3A_207 : i32
      %dma_wait3A_209 = arith.constant 1 : i32
      %dma_wait3A_210 = arith.constant 0 : i32
      %dma_wait3A_211 = tpu.memref_slice %arg2[%dma_wait3A_209, %add3A_208, %dma_wait3A_210] : memref<4x4096x1024xf32, #tpu.memory_space<hbm>> -> memref<1x8x1024xf32, #tpu.memory_space<hbm>>
      %dma_wait3A_212 = tpu.memref_squeeze %dma_wait3A_211 : memref<1x8x1024xf32, #tpu.memory_space<hbm>> -> memref<8x1024xf32, #tpu.memory_space<hbm>>
      %dma_wait3A_213 = arith.constant 0 : i32
      %dma_wait3A_214 = tpu.memref_slice %arg2[%dma_wait3A_209, %add3A_208, %dma_wait3A_213] : memref<4x4096x1024xf32, #tpu.memory_space<hbm>> -> memref<1x8x1024xf32, #tpu.memory_space<hbm>>
      %dma_wait3A_215 = tpu.memref_squeeze %dma_wait3A_214 : memref<1x8x1024xf32, #tpu.memory_space<hbm>> -> memref<8x1024xf32, #tpu.memory_space<hbm>>
      tpu.wait_dma2 semaphore(%arg16 : memref<!tpu.dma_semaphore, #tpu.memory_space<semaphore_mem>>) src(%dma_wait3A_215 : memref<8x1024xf32, #tpu.memory_space<hbm>>) dst(%arg6 : memref<8x1024xf32, #tpu.memory_space<vmem>>)
      %parallel_loop3A_216 = arith.constant 0 : i32
      %parallel_loop3A_217 = arith.constant 8192 : i32
      %parallel_loop3A_218 = arith.constant 16 : i32
      scf.for %parallel_loop3A_848 = %parallel_loop3A_216 to %parallel_loop3A_217 step %parallel_loop3A_218  : i32 {
        %parallel_loop3A_849 = arith.constant 10 : i32
        %parallel_loop3A_850 = arith.shrui %parallel_loop3A_848, %parallel_loop3A_849 : i32
        %parallel_loop3A_851 = arith.constant 1023 : i32
        %parallel_loop3A_852 = arith.andi %parallel_loop3A_848, %parallel_loop3A_851 : i32
        %parallel_loop3A_853 = tpu.assume_multiple %parallel_loop3A_852, 16 : i32
        %parallel_loop3A_854 = arith.index_cast %parallel_loop3A_850 : i32 to index
        %parallel_loop3A_855 = arith.index_cast %parallel_loop3A_853 : i32 to index
        %parallel_loop3A_856 = tpu.vector_load %arg13[%parallel_loop3A_854, %parallel_loop3A_855] {strides = array<i32>} : memref<8x1024xf32, #tpu.memory_space<vmem>>, vector<1x16xf32>,
        %parallel_loop3A_857 = vector.shape_cast %parallel_loop3A_856 : vector<1x16xf32> to vector<16xf32>
        %parallel_loop3A_858 = arith.index_cast %parallel_loop3A_850 : i32 to index
        %parallel_loop3A_859 = arith.index_cast %parallel_loop3A_853 : i32 to index
        %parallel_loop3A_860 = tpu.vector_load %arg6[%parallel_loop3A_858, %parallel_loop3A_859] {strides = array<i32>} : memref<8x1024xf32, #tpu.memory_space<vmem>>, vector<1x16xf32>,
        %parallel_loop3A_861 = vector.shape_cast %parallel_loop3A_860 : vector<1x16xf32> to vector<16xf32>
        %parallel_loop3A_862 = vector.shape_cast %parallel_loop3A_857 : vector<16xf32> to vector<1x16xf32>
        tpu.vector_store %arg6[%parallel_loop3A_858, %parallel_loop3A_859], %parallel_loop3A_862 {add = true, strides = array<i32>} : memref<8x1024xf32, #tpu.memory_space<vmem>>, vector<1x16xf32>,
      } {sc.loop_unroll_factor = 8 : i64, sc.parallel_access}
      %mul3A_219 = arith.constant 8 : i32
      %mul3A_220 = arith.muli %select_n3A_205, %mul3A_219 : i32
      %add3A_221 = arith.addi %mul3A_2, %mul3A_220 : i32
      %dma_start3A_222 = arith.constant 1 : i32
      %dma_start3A_223 = arith.constant 0 : i32
      %dma_start3A_224 = tpu.memref_slice %arg4[%dma_start3A_222, %add3A_221, %dma_start3A_223] : memref<4x4096x1024xf32, #tpu.memory_space<hbm>> -> memref<1x8x1024xf32, #tpu.memory_space<hbm>>
      %dma_start3A_225 = tpu.memref_squeeze %dma_start3A_224 : memref<1x8x1024xf32, #tpu.memory_space<hbm>> -> memref<8x1024xf32, #tpu.memory_space<hbm>>
      %dma_start3A_226 = arith.constant 0 : i32
      %dma_start3A_227 = tpu.memref_slice %arg4[%dma_start3A_222, %add3A_221, %dma_start3A_226] : memref<4x4096x1024xf32, #tpu.memory_space<hbm>> -> memref<1x8x1024xf32, #tpu.memory_space<hbm>>
      %dma_start3A_228 = tpu.memref_squeeze %dma_start3A_227 : memref<1x8x1024xf32, #tpu.memory_space<hbm>> -> memref<8x1024xf32, #tpu.memory_space<hbm>>
      tpu.enqueue_dma source(%arg6 : memref<8x1024xf32, #tpu.memory_space<vmem>>) target(%dma_start3A_228 : memref<8x1024xf32, #tpu.memory_space<hbm>>) target_semaphore(%arg24 : memref<!tpu.dma_semaphore, #tpu.memory_space<semaphore_mem>>)
      %sub3A_229 = arith.constant 4 : i32
      %sub3A_230 = arith.subi %add3A_181, %sub3A_229 : i32
      %add3A_231 = arith.constant 4 : i32
      %add3A_232 = arith.addi %add3A_181, %add3A_231 : i32
      %gt3A_233 = arith.constant 0 : i32
      %gt3A_234 = arith.cmpi sgt, %scan3A_90, %gt3A_233 : i32
      %convert_element_type3A_235 = arith.extui %gt3A_234 : i1 to i32
      %cond3A_236 = arith.constant 0 : i32
      %cond3A_237 = arith.cmpi ne, %convert_element_type3A_235, %cond3A_236 : i32
      scf.if %cond3A_237 {
        %jit3A_848 = arith.constant 4 : i32
        %div3A_849 = arith.divsi %sub3A_230, %jit3A_848 : i32
        %sign3A_850 = arith.constant 0 : i32
        %sign3A_851 = arith.cmpi sgt, %sub3A_230, %sign3A_850 : i32
        %sign3A_852 = arith.extui %sign3A_851 : i1 to i32
        %sign3A_853 = arith.constant 0 : i32
        %sign3A_854 = arith.cmpi slt, %sub3A_230, %sign3A_853 : i32
        %sign3A_855 = arith.extui %sign3A_854 : i1 to i32
        %sign3A_856 = arith.subi %sign3A_852, %sign3A_855 : i32
        %sign3A_857 = arith.constant 0 : i32
        %sign3A_858 = arith.cmpi sgt, %jit3A_848, %sign3A_857 : i32
        %sign3A_859 = arith.extui %sign3A_858 : i1 to i32
        %sign3A_860 = arith.constant 0 : i32
        %sign3A_861 = arith.cmpi slt, %jit3A_848, %sign3A_860 : i32
        %sign3A_862 = arith.extui %sign3A_861 : i1 to i32
        %sign3A_863 = arith.subi %sign3A_859, %sign3A_862 : i32
        %ne3A_864 = arith.cmpi ne, %sign3A_856, %sign3A_863 : i32
        %rem3A_865 = arith.remsi %sub3A_230, %jit3A_848 : i32
        %ne3A_866 = arith.constant 0 : i32
        %ne3A_867 = arith.cmpi ne, %rem3A_865, %ne3A_866 : i32
        %and3A_868 = arith.andi %ne3A_864, %ne3A_867 : i1
        %sub3A_869 = arith.constant 1 : i32
        %sub3A_870 = arith.subi %div3A_849, %sub3A_869 : i32
        %select_n3A_871 = arith.select %and3A_868, %sub3A_870, %div3A_849 : i32
        %mul3A_872 = arith.constant 8 : i32
        %mul3A_873 = arith.muli %select_n3A_871, %mul3A_872 : i32
        %add3A_874 = arith.addi %mul3A_2, %mul3A_873 : i32
        %dma_wait3A_875 = arith.constant 1 : i32
        %dma_wait3A_876 = arith.constant 0 : i32
        %dma_wait3A_877 = tpu.memref_slice %arg4[%dma_wait3A_875, %add3A_874, %dma_wait3A_876] : memref<4x4096x1024xf32, #tpu.memory_space<hbm>> -> memref<1x8x1024xf32, #tpu.memory_space<hbm>>
        %dma_wait3A_878 = tpu.memref_squeeze %dma_wait3A_877 : memref<1x8x1024xf32, #tpu.memory_space<hbm>> -> memref<8x1024xf32, #tpu.memory_space<hbm>>
        %dma_wait3A_879 = arith.constant 0 : i32
        %dma_wait3A_880 = tpu.memref_slice %arg4[%dma_wait3A_875, %add3A_874, %dma_wait3A_879] : memref<4x4096x1024xf32, #tpu.memory_space<hbm>> -> memref<1x8x1024xf32, #tpu.memory_space<hbm>>
        %dma_wait3A_881 = tpu.memref_squeeze %dma_wait3A_880 : memref<1x8x1024xf32, #tpu.memory_space<hbm>> -> memref<8x1024xf32, #tpu.memory_space<hbm>>
        tpu.wait_dma2 semaphore(%arg28 : memref<!tpu.dma_semaphore, #tpu.memory_space<semaphore_mem>>) src(%arg10 : memref<8x1024xf32, #tpu.memory_space<vmem>>) dst(%dma_wait3A_881 : memref<8x1024xf32, #tpu.memory_space<hbm>>)
      } else {
      }
      %jit3A_238 = arith.constant 4 : i32
      %div3A_239 = arith.divsi %add3A_232, %jit3A_238 : i32
      %sign3A_240 = arith.constant 0 : i32
      %sign3A_241 = arith.cmpi sgt, %add3A_232, %sign3A_240 : i32
      %sign3A_242 = arith.extui %sign3A_241 : i1 to i32
      %sign3A_243 = arith.constant 0 : i32
      %sign3A_244 = arith.cmpi slt, %add3A_232, %sign3A_243 : i32
      %sign3A_245 = arith.extui %sign3A_244 : i1 to i32
      %sign3A_246 = arith.subi %sign3A_242, %sign3A_245 : i32
      %sign3A_247 = arith.constant 0 : i32
      %sign3A_248 = arith.cmpi sgt, %jit3A_238, %sign3A_247 : i32
      %sign3A_249 = arith.extui %sign3A_248 : i1 to i32
      %sign3A_250 = arith.constant 0 : i32
      %sign3A_251 = arith.cmpi slt, %jit3A_238, %sign3A_250 : i32
      %sign3A_252 = arith.extui %sign3A_251 : i1 to i32
      %sign3A_253 = arith.subi %sign3A_249, %sign3A_252 : i32
      %ne3A_254 = arith.cmpi ne, %sign3A_246, %sign3A_253 : i32
      %rem3A_255 = arith.remsi %add3A_232, %jit3A_238 : i32
      %ne3A_256 = arith.constant 0 : i32
      %ne3A_257 = arith.cmpi ne, %rem3A_255, %ne3A_256 : i32
      %and3A_258 = arith.andi %ne3A_254, %ne3A_257 : i1
      %sub3A_259 = arith.constant 1 : i32
      %sub3A_260 = arith.subi %div3A_239, %sub3A_259 : i32
      %select_n3A_261 = arith.select %and3A_258, %sub3A_260, %div3A_239 : i32
      %mul3A_262 = arith.constant 8 : i32
      %mul3A_263 = arith.muli %select_n3A_261, %mul3A_262 : i32
      %add3A_264 = arith.addi %mul3A_2, %mul3A_263 : i32
      %dma_start3A_265 = arith.constant 1 : i32
      %dma_start3A_266 = arith.constant 0 : i32
      %dma_start3A_267 = tpu.memref_slice %arg2[%dma_start3A_265, %add3A_264, %dma_start3A_266] : memref<4x4096x1024xf32, #tpu.memory_space<hbm>> -> memref<1x8x1024xf32, #tpu.memory_space<hbm>>
      %dma_start3A_268 = tpu.memref_squeeze %dma_start3A_267 : memref<1x8x1024xf32, #tpu.memory_space<hbm>> -> memref<8x1024xf32, #tpu.memory_space<hbm>>
      %dma_start3A_269 = arith.constant 0 : i32
      %dma_start3A_270 = tpu.memref_slice %arg2[%dma_start3A_265, %add3A_264, %dma_start3A_269] : memref<4x4096x1024xf32, #tpu.memory_space<hbm>> -> memref<1x8x1024xf32, #tpu.memory_space<hbm>>
      %dma_start3A_271 = tpu.memref_squeeze %dma_start3A_270 : memref<1x8x1024xf32, #tpu.memory_space<hbm>> -> memref<8x1024xf32, #tpu.memory_space<hbm>>
      tpu.enqueue_dma source(%dma_start3A_271 : memref<8x1024xf32, #tpu.memory_space<hbm>>) target(%arg10 : memref<8x1024xf32, #tpu.memory_space<vmem>>) target_semaphore(%arg20 : memref<!tpu.dma_semaphore, #tpu.memory_space<semaphore_mem>>)
      %add3A_272 = arith.constant 2 : i32
      %add3A_273 = arith.addi %mul3A_92, %add3A_272 : i32
      %jit3A_274 = arith.constant 4 : i32
      %div3A_275 = arith.divsi %add3A_273, %jit3A_274 : i32
      %sign3A_276 = arith.constant 0 : i32
      %sign3A_277 = arith.cmpi sgt, %add3A_273, %sign3A_276 : i32
      %sign3A_278 = arith.extui %sign3A_277 : i1 to i32
      %sign3A_279 = arith.constant 0 : i32
      %sign3A_280 = arith.cmpi slt, %add3A_273, %sign3A_279 : i32
      %sign3A_281 = arith.extui %sign3A_280 : i1 to i32
      %sign3A_282 = arith.subi %sign3A_278, %sign3A_281 : i32
      %sign3A_283 = arith.constant 0 : i32
      %sign3A_284 = arith.cmpi sgt, %jit3A_274, %sign3A_283 : i32
      %sign3A_285 = arith.extui %sign3A_284 : i1 to i32
      %sign3A_286 = arith.constant 0 : i32
      %sign3A_287 = arith.cmpi slt, %jit3A_274, %sign3A_286 : i32
      %sign3A_288 = arith.extui %sign3A_287 : i1 to i32
      %sign3A_289 = arith.subi %sign3A_285, %sign3A_288 : i32
      %ne3A_290 = arith.cmpi ne, %sign3A_282, %sign3A_289 : i32
      %rem3A_291 = arith.remsi %add3A_273, %jit3A_274 : i32
      %ne3A_292 = arith.constant 0 : i32
      %ne3A_293 = arith.cmpi ne, %rem3A_291, %ne3A_292 : i32
      %and3A_294 = arith.andi %ne3A_290, %ne3A_293 : i1
      %sub3A_295 = arith.constant 1 : i32
      %sub3A_296 = arith.subi %div3A_275, %sub3A_295 : i32
      %select_n3A_297 = arith.select %and3A_294, %sub3A_296, %div3A_275 : i32
      %mul3A_298 = arith.constant 8 : i32
      %mul3A_299 = arith.muli %select_n3A_297, %mul3A_298 : i32
      %add3A_300 = arith.addi %mul3A_2, %mul3A_299 : i32
      %dma_wait3A_301 = arith.constant 2 : i32
      %dma_wait3A_302 = arith.constant 0 : i32
      %dma_wait3A_303 = tpu.memref_slice %arg2[%dma_wait3A_301, %add3A_300, %dma_wait3A_302] : memref<4x4096x1024xf32, #tpu.memory_space<hbm>> -> memref<1x8x1024xf32, #tpu.memory_space<hbm>>
      %dma_wait3A_304 = tpu.memref_squeeze %dma_wait3A_303 : memref<1x8x1024xf32, #tpu.memory_space<hbm>> -> memref<8x1024xf32, #tpu.memory_space<hbm>>
      %dma_wait3A_305 = arith.constant 0 : i32
      %dma_wait3A_306 = tpu.memref_slice %arg2[%dma_wait3A_301, %add3A_300, %dma_wait3A_305] : memref<4x4096x1024xf32, #tpu.memory_space<hbm>> -> memref<1x8x1024xf32, #tpu.memory_space<hbm>>
      %dma_wait3A_307 = tpu.memref_squeeze %dma_wait3A_306 : memref<1x8x1024xf32, #tpu.memory_space<hbm>> -> memref<8x1024xf32, #tpu.memory_space<hbm>>
      tpu.wait_dma2 semaphore(%arg17 : memref<!tpu.dma_semaphore, #tpu.memory_space<semaphore_mem>>) src(%dma_wait3A_307 : memref<8x1024xf32, #tpu.memory_space<hbm>>) dst(%arg7 : memref<8x1024xf32, #tpu.memory_space<vmem>>)
      %parallel_loop3A_308 = arith.constant 0 : i32
      %parallel_loop3A_309 = arith.constant 8192 : i32
      %parallel_loop3A_310 = arith.constant 16 : i32
      scf.for %parallel_loop3A_848 = %parallel_loop3A_308 to %parallel_loop3A_309 step %parallel_loop3A_310  : i32 {
        %parallel_loop3A_849 = arith.constant 10 : i32
        %parallel_loop3A_850 = arith.shrui %parallel_loop3A_848, %parallel_loop3A_849 : i32
        %parallel_loop3A_851 = arith.constant 1023 : i32
        %parallel_loop3A_852 = arith.andi %parallel_loop3A_848, %parallel_loop3A_851 : i32
        %parallel_loop3A_853 = tpu.assume_multiple %parallel_loop3A_852, 16 : i32
        %parallel_loop3A_854 = arith.index_cast %parallel_loop3A_850 : i32 to index
        %parallel_loop3A_855 = arith.index_cast %parallel_loop3A_853 : i32 to index
        %parallel_loop3A_856 = tpu.vector_load %arg13[%parallel_loop3A_854, %parallel_loop3A_855] {strides = array<i32>} : memref<8x1024xf32, #tpu.memory_space<vmem>>, vector<1x16xf32>,
        %parallel_loop3A_857 = vector.shape_cast %parallel_loop3A_856 : vector<1x16xf32> to vector<16xf32>
        %parallel_loop3A_858 = arith.index_cast %parallel_loop3A_850 : i32 to index
        %parallel_loop3A_859 = arith.index_cast %parallel_loop3A_853 : i32 to index
        %parallel_loop3A_860 = tpu.vector_load %arg7[%parallel_loop3A_858, %parallel_loop3A_859] {strides = array<i32>} : memref<8x1024xf32, #tpu.memory_space<vmem>>, vector<1x16xf32>,
        %parallel_loop3A_861 = vector.shape_cast %parallel_loop3A_860 : vector<1x16xf32> to vector<16xf32>
        %parallel_loop3A_862 = vector.shape_cast %parallel_loop3A_857 : vector<16xf32> to vector<1x16xf32>
        tpu.vector_store %arg7[%parallel_loop3A_858, %parallel_loop3A_859], %parallel_loop3A_862 {add = true, strides = array<i32>} : memref<8x1024xf32, #tpu.memory_space<vmem>>, vector<1x16xf32>,
      } {sc.loop_unroll_factor = 8 : i64, sc.parallel_access}
      %mul3A_311 = arith.constant 8 : i32
      %mul3A_312 = arith.muli %select_n3A_297, %mul3A_311 : i32
      %add3A_313 = arith.addi %mul3A_2, %mul3A_312 : i32
      %dma_start3A_314 = arith.constant 2 : i32
      %dma_start3A_315 = arith.constant 0 : i32
      %dma_start3A_316 = tpu.memref_slice %arg4[%dma_start3A_314, %add3A_313, %dma_start3A_315] : memref<4x4096x1024xf32, #tpu.memory_space<hbm>> -> memref<1x8x1024xf32, #tpu.memory_space<hbm>>
      %dma_start3A_317 = tpu.memref_squeeze %dma_start3A_316 : memref<1x8x1024xf32, #tpu.memory_space<hbm>> -> memref<8x1024xf32, #tpu.memory_space<hbm>>
      %dma_start3A_318 = arith.constant 0 : i32
      %dma_start3A_319 = tpu.memref_slice %arg4[%dma_start3A_314, %add3A_313, %dma_start3A_318] : memref<4x4096x1024xf32, #tpu.memory_space<hbm>> -> memref<1x8x1024xf32, #tpu.memory_space<hbm>>
      %dma_start3A_320 = tpu.memref_squeeze %dma_start3A_319 : memref<1x8x1024xf32, #tpu.memory_space<hbm>> -> memref<8x1024xf32, #tpu.memory_space<hbm>>
      tpu.enqueue_dma source(%arg7 : memref<8x1024xf32, #tpu.memory_space<vmem>>) target(%dma_start3A_320 : memref<8x1024xf32, #tpu.memory_space<hbm>>) target_semaphore(%arg25 : memref<!tpu.dma_semaphore, #tpu.memory_space<semaphore_mem>>)
      %sub3A_321 = arith.constant 4 : i32
      %sub3A_322 = arith.subi %add3A_273, %sub3A_321 : i32
      %add3A_323 = arith.constant 4 : i32
      %add3A_324 = arith.addi %add3A_273, %add3A_323 : i32
      %gt3A_325 = arith.constant 0 : i32
      %gt3A_326 = arith.cmpi sgt, %scan3A_90, %gt3A_325 : i32
      %convert_element_type3A_327 = arith.extui %gt3A_326 : i1 to i32
      %cond3A_328 = arith.constant 0 : i32
      %cond3A_329 = arith.cmpi ne, %convert_element_type3A_327, %cond3A_328 : i32
      scf.if %cond3A_329 {
        %jit3A_848 = arith.constant 4 : i32
        %div3A_849 = arith.divsi %sub3A_322, %jit3A_848 : i32
        %sign3A_850 = arith.constant 0 : i32
        %sign3A_851 = arith.cmpi sgt, %sub3A_322, %sign3A_850 : i32
        %sign3A_852 = arith.extui %sign3A_851 : i1 to i32
        %sign3A_853 = arith.constant 0 : i32
        %sign3A_854 = arith.cmpi slt, %sub3A_322, %sign3A_853 : i32
        %sign3A_855 = arith.extui %sign3A_854 : i1 to i32
        %sign3A_856 = arith.subi %sign3A_852, %sign3A_855 : i32
        %sign3A_857 = arith.constant 0 : i32
        %sign3A_858 = arith.cmpi sgt, %jit3A_848, %sign3A_857 : i32
        %sign3A_859 = arith.extui %sign3A_858 : i1 to i32
        %sign3A_860 = arith.constant 0 : i32
        %sign3A_861 = arith.cmpi slt, %jit3A_848, %sign3A_860 : i32
        %sign3A_862 = arith.extui %sign3A_861 : i1 to i32
        %sign3A_863 = arith.subi %sign3A_859, %sign3A_862 : i32
        %ne3A_864 = arith.cmpi ne, %sign3A_856, %sign3A_863 : i32
        %rem3A_865 = arith.remsi %sub3A_322, %jit3A_848 : i32
        %ne3A_866 = arith.constant 0 : i32
        %ne3A_867 = arith.cmpi ne, %rem3A_865, %ne3A_866 : i32
        %and3A_868 = arith.andi %ne3A_864, %ne3A_867 : i1
        %sub3A_869 = arith.constant 1 : i32
        %sub3A_870 = arith.subi %div3A_849, %sub3A_869 : i32
        %select_n3A_871 = arith.select %and3A_868, %sub3A_870, %div3A_849 : i32
        %mul3A_872 = arith.constant 8 : i32
        %mul3A_873 = arith.muli %select_n3A_871, %mul3A_872 : i32
        %add3A_874 = arith.addi %mul3A_2, %mul3A_873 : i32
        %dma_wait3A_875 = arith.constant 2 : i32
        %dma_wait3A_876 = arith.constant 0 : i32
        %dma_wait3A_877 = tpu.memref_slice %arg4[%dma_wait3A_875, %add3A_874, %dma_wait3A_876] : memref<4x4096x1024xf32, #tpu.memory_space<hbm>> -> memref<1x8x1024xf32, #tpu.memory_space<hbm>>
        %dma_wait3A_878 = tpu.memref_squeeze %dma_wait3A_877 : memref<1x8x1024xf32, #tpu.memory_space<hbm>> -> memref<8x1024xf32, #tpu.memory_space<hbm>>
        %dma_wait3A_879 = arith.constant 0 : i32
        %dma_wait3A_880 = tpu.memref_slice %arg4[%dma_wait3A_875, %add3A_874, %dma_wait3A_879] : memref<4x4096x1024xf32, #tpu.memory_space<hbm>> -> memref<1x8x1024xf32, #tpu.memory_space<hbm>>
        %dma_wait3A_881 = tpu.memref_squeeze %dma_wait3A_880 : memref<1x8x1024xf32, #tpu.memory_space<hbm>> -> memref<8x1024xf32, #tpu.memory_space<hbm>>
        tpu.wait_dma2 semaphore(%arg29 : memref<!tpu.dma_semaphore, #tpu.memory_space<semaphore_mem>>) src(%arg11 : memref<8x1024xf32, #tpu.memory_space<vmem>>) dst(%dma_wait3A_881 : memref<8x1024xf32, #tpu.memory_space<hbm>>)
      } else {
      }
      %jit3A_330 = arith.constant 4 : i32
      %div3A_331 = arith.divsi %add3A_324, %jit3A_330 : i32
      %sign3A_332 = arith.constant 0 : i32
      %sign3A_333 = arith.cmpi sgt, %add3A_324, %sign3A_332 : i32
      %sign3A_334 = arith.extui %sign3A_333 : i1 to i32
      %sign3A_335 = arith.constant 0 : i32
      %sign3A_336 = arith.cmpi slt, %add3A_324, %sign3A_335 : i32
      %sign3A_337 = arith.extui %sign3A_336 : i1 to i32
      %sign3A_338 = arith.subi %sign3A_334, %sign3A_337 : i32
      %sign3A_339 = arith.constant 0 : i32
      %sign3A_340 = arith.cmpi sgt, %jit3A_330, %sign3A_339 : i32
      %sign3A_341 = arith.extui %sign3A_340 : i1 to i32
      %sign3A_342 = arith.constant 0 : i32
      %sign3A_343 = arith.cmpi slt, %jit3A_330, %sign3A_342 : i32
      %sign3A_344 = arith.extui %sign3A_343 : i1 to i32
      %sign3A_345 = arith.subi %sign3A_341, %sign3A_344 : i32
      %ne3A_346 = arith.cmpi ne, %sign3A_338, %sign3A_345 : i32
      %rem3A_347 = arith.remsi %add3A_324, %jit3A_330 : i32
      %ne3A_348 = arith.constant 0 : i32
      %ne3A_349 = arith.cmpi ne, %rem3A_347, %ne3A_348 : i32
      %and3A_350 = arith.andi %ne3A_346, %ne3A_349 : i1
      %sub3A_351 = arith.constant 1 : i32
      %sub3A_352 = arith.subi %div3A_331, %sub3A_351 : i32
      %select_n3A_353 = arith.select %and3A_350, %sub3A_352, %div3A_331 : i32
      %mul3A_354 = arith.constant 8 : i32
      %mul3A_355 = arith.muli %select_n3A_353, %mul3A_354 : i32
      %add3A_356 = arith.addi %mul3A_2, %mul3A_355 : i32
      %dma_start3A_357 = arith.constant 2 : i32
      %dma_start3A_358 = arith.constant 0 : i32
      %dma_start3A_359 = tpu.memref_slice %arg2[%dma_start3A_357, %add3A_356, %dma_start3A_358] : memref<4x4096x1024xf32, #tpu.memory_space<hbm>> -> memref<1x8x1024xf32, #tpu.memory_space<hbm>>
      %dma_start3A_360 = tpu.memref_squeeze %dma_start3A_359 : memref<1x8x1024xf32, #tpu.memory_space<hbm>> -> memref<8x1024xf32, #tpu.memory_space<hbm>>
      %dma_start3A_361 = arith.constant 0 : i32
      %dma_start3A_362 = tpu.memref_slice %arg2[%dma_start3A_357, %add3A_356, %dma_start3A_361] : memref<4x4096x1024xf32, #tpu.memory_space<hbm>> -> memref<1x8x1024xf32, #tpu.memory_space<hbm>>
      %dma_start3A_363 = tpu.memref_squeeze %dma_start3A_362 : memref<1x8x1024xf32, #tpu.memory_space<hbm>> -> memref<8x1024xf32, #tpu.memory_space<hbm>>
      tpu.enqueue_dma source(%dma_start3A_363 : memref<8x1024xf32, #tpu.memory_space<hbm>>) target(%arg11 : memref<8x1024xf32, #tpu.memory_space<vmem>>) target_semaphore(%arg21 : memref<!tpu.dma_semaphore, #tpu.memory_space<semaphore_mem>>)
      %add3A_364 = arith.constant 3 : i32
      %add3A_365 = arith.addi %mul3A_92, %add3A_364 : i32
      %jit3A_366 = arith.constant 4 : i32
      %div3A_367 = arith.divsi %add3A_365, %jit3A_366 : i32
      %sign3A_368 = arith.constant 0 : i32
      %sign3A_369 = arith.cmpi sgt, %add3A_365, %sign3A_368 : i32
      %sign3A_370 = arith.extui %sign3A_369 : i1 to i32
      %sign3A_371 = arith.constant 0 : i32
      %sign3A_372 = arith.cmpi slt, %add3A_365, %sign3A_371 : i32
      %sign3A_373 = arith.extui %sign3A_372 : i1 to i32
      %sign3A_374 = arith.subi %sign3A_370, %sign3A_373 : i32
      %sign3A_375 = arith.constant 0 : i32
      %sign3A_376 = arith.cmpi sgt, %jit3A_366, %sign3A_375 : i32
      %sign3A_377 = arith.extui %sign3A_376 : i1 to i32
      %sign3A_378 = arith.constant 0 : i32
      %sign3A_379 = arith.cmpi slt, %jit3A_366, %sign3A_378 : i32
      %sign3A_380 = arith.extui %sign3A_379 : i1 to i32
      %sign3A_381 = arith.subi %sign3A_377, %sign3A_380 : i32
      %ne3A_382 = arith.cmpi ne, %sign3A_374, %sign3A_381 : i32
      %rem3A_383 = arith.remsi %add3A_365, %jit3A_366 : i32
      %ne3A_384 = arith.constant 0 : i32
      %ne3A_385 = arith.cmpi ne, %rem3A_383, %ne3A_384 : i32
      %and3A_386 = arith.andi %ne3A_382, %ne3A_385 : i1
      %sub3A_387 = arith.constant 1 : i32
      %sub3A_388 = arith.subi %div3A_367, %sub3A_387 : i32
      %select_n3A_389 = arith.select %and3A_386, %sub3A_388, %div3A_367 : i32
      %mul3A_390 = arith.constant 8 : i32
      %mul3A_391 = arith.muli %select_n3A_389, %mul3A_390 : i32
      %add3A_392 = arith.addi %mul3A_2, %mul3A_391 : i32
      %dma_wait3A_393 = arith.constant 3 : i32
      %dma_wait3A_394 = arith.constant 0 : i32
      %dma_wait3A_395 = tpu.memref_slice %arg2[%dma_wait3A_393, %add3A_392, %dma_wait3A_394] : memref<4x4096x1024xf32, #tpu.memory_space<hbm>> -> memref<1x8x1024xf32, #tpu.memory_space<hbm>>
      %dma_wait3A_396 = tpu.memref_squeeze %dma_wait3A_395 : memref<1x8x1024xf32, #tpu.memory_space<hbm>> -> memref<8x1024xf32, #tpu.memory_space<hbm>>
      %dma_wait3A_397 = arith.constant 0 : i32
      %dma_wait3A_398 = tpu.memref_slice %arg2[%dma_wait3A_393, %add3A_392, %dma_wait3A_397] : memref<4x4096x1024xf32, #tpu.memory_space<hbm>> -> memref<1x8x1024xf32, #tpu.memory_space<hbm>>
      %dma_wait3A_399 = tpu.memref_squeeze %dma_wait3A_398 : memref<1x8x1024xf32, #tpu.memory_space<hbm>> -> memref<8x1024xf32, #tpu.memory_space<hbm>>
      tpu.wait_dma2 semaphore(%arg18 : memref<!tpu.dma_semaphore, #tpu.memory_space<semaphore_mem>>) src(%dma_wait3A_399 : memref<8x1024xf32, #tpu.memory_space<hbm>>) dst(%arg8 : memref<8x1024xf32, #tpu.memory_space<vmem>>)
      %parallel_loop3A_400 = arith.constant 0 : i32
      %parallel_loop3A_401 = arith.constant 8192 : i32
      %parallel_loop3A_402 = arith.constant 16 : i32
      scf.for %parallel_loop3A_848 = %parallel_loop3A_400 to %parallel_loop3A_401 step %parallel_loop3A_402  : i32 {
        %parallel_loop3A_849 = arith.constant 10 : i32
        %parallel_loop3A_850 = arith.shrui %parallel_loop3A_848, %parallel_loop3A_849 : i32
        %parallel_loop3A_851 = arith.constant 1023 : i32
        %parallel_loop3A_852 = arith.andi %parallel_loop3A_848, %parallel_loop3A_851 : i32
        %parallel_loop3A_853 = tpu.assume_multiple %parallel_loop3A_852, 16 : i32
        %parallel_loop3A_854 = arith.index_cast %parallel_loop3A_850 : i32 to index
        %parallel_loop3A_855 = arith.index_cast %parallel_loop3A_853 : i32 to index
        %parallel_loop3A_856 = tpu.vector_load %arg13[%parallel_loop3A_854, %parallel_loop3A_855] {strides = array<i32>} : memref<8x1024xf32, #tpu.memory_space<vmem>>, vector<1x16xf32>,
        %parallel_loop3A_857 = vector.shape_cast %parallel_loop3A_856 : vector<1x16xf32> to vector<16xf32>
        %parallel_loop3A_858 = arith.index_cast %parallel_loop3A_850 : i32 to index
        %parallel_loop3A_859 = arith.index_cast %parallel_loop3A_853 : i32 to index
        %parallel_loop3A_860 = tpu.vector_load %arg8[%parallel_loop3A_858, %parallel_loop3A_859] {strides = array<i32>} : memref<8x1024xf32, #tpu.memory_space<vmem>>, vector<1x16xf32>,
        %parallel_loop3A_861 = vector.shape_cast %parallel_loop3A_860 : vector<1x16xf32> to vector<16xf32>
        %parallel_loop3A_862 = vector.shape_cast %parallel_loop3A_857 : vector<16xf32> to vector<1x16xf32>
        tpu.vector_store %arg8[%parallel_loop3A_858, %parallel_loop3A_859], %parallel_loop3A_862 {add = true, strides = array<i32>} : memref<8x1024xf32, #tpu.memory_space<vmem>>, vector<1x16xf32>,
      } {sc.loop_unroll_factor = 8 : i64, sc.parallel_access}
      %mul3A_403 = arith.constant 8 : i32
      %mul3A_404 = arith.muli %select_n3A_389, %mul3A_403 : i32
      %add3A_405 = arith.addi %mul3A_2, %mul3A_404 : i32
      %dma_start3A_406 = arith.constant 3 : i32
      %dma_start3A_407 = arith.constant 0 : i32
      %dma_start3A_408 = tpu.memref_slice %arg4[%dma_start3A_406, %add3A_405, %dma_start3A_407] : memref<4x4096x1024xf32, #tpu.memory_space<hbm>> -> memref<1x8x1024xf32, #tpu.memory_space<hbm>>
      %dma_start3A_409 = tpu.memref_squeeze %dma_start3A_408 : memref<1x8x1024xf32, #tpu.memory_space<hbm>> -> memref<8x1024xf32, #tpu.memory_space<hbm>>
      %dma_start3A_410 = arith.constant 0 : i32
      %dma_start3A_411 = tpu.memref_slice %arg4[%dma_start3A_406, %add3A_405, %dma_start3A_410] : memref<4x4096x1024xf32, #tpu.memory_space<hbm>> -> memref<1x8x1024xf32, #tpu.memory_space<hbm>>
      %dma_start3A_412 = tpu.memref_squeeze %dma_start3A_411 : memref<1x8x1024xf32, #tpu.memory_space<hbm>> -> memref<8x1024xf32, #tpu.memory_space<hbm>>
      tpu.enqueue_dma source(%arg8 : memref<8x1024xf32, #tpu.memory_space<vmem>>) target(%dma_start3A_412 : memref<8x1024xf32, #tpu.memory_space<hbm>>) target_semaphore(%arg26 : memref<!tpu.dma_semaphore, #tpu.memory_space<semaphore_mem>>)
      %sub3A_413 = arith.constant 4 : i32
      %sub3A_414 = arith.subi %add3A_365, %sub3A_413 : i32
      %add3A_415 = arith.constant 4 : i32
      %add3A_416 = arith.addi %add3A_365, %add3A_415 : i32
      %gt3A_417 = arith.constant 0 : i32
      %gt3A_418 = arith.cmpi sgt, %scan3A_90, %gt3A_417 : i32
      %convert_element_type3A_419 = arith.extui %gt3A_418 : i1 to i32
      %cond3A_420 = arith.constant 0 : i32
      %cond3A_421 = arith.cmpi ne, %convert_element_type3A_419, %cond3A_420 : i32
      scf.if %cond3A_421 {
        %jit3A_848 = arith.constant 4 : i32
        %div3A_849 = arith.divsi %sub3A_414, %jit3A_848 : i32
        %sign3A_850 = arith.constant 0 : i32
        %sign3A_851 = arith.cmpi sgt, %sub3A_414, %sign3A_850 : i32
        %sign3A_852 = arith.extui %sign3A_851 : i1 to i32
        %sign3A_853 = arith.constant 0 : i32
        %sign3A_854 = arith.cmpi slt, %sub3A_414, %sign3A_853 : i32
        %sign3A_855 = arith.extui %sign3A_854 : i1 to i32
        %sign3A_856 = arith.subi %sign3A_852, %sign3A_855 : i32
        %sign3A_857 = arith.constant 0 : i32
        %sign3A_858 = arith.cmpi sgt, %jit3A_848, %sign3A_857 : i32
        %sign3A_859 = arith.extui %sign3A_858 : i1 to i32
        %sign3A_860 = arith.constant 0 : i32
        %sign3A_861 = arith.cmpi slt, %jit3A_848, %sign3A_860 : i32
        %sign3A_862 = arith.extui %sign3A_861 : i1 to i32
        %sign3A_863 = arith.subi %sign3A_859, %sign3A_862 : i32
        %ne3A_864 = arith.cmpi ne, %sign3A_856, %sign3A_863 : i32
        %rem3A_865 = arith.remsi %sub3A_414, %jit3A_848 : i32
        %ne3A_866 = arith.constant 0 : i32
        %ne3A_867 = arith.cmpi ne, %rem3A_865, %ne3A_866 : i32
        %and3A_868 = arith.andi %ne3A_864, %ne3A_867 : i1
        %sub3A_869 = arith.constant 1 : i32
        %sub3A_870 = arith.subi %div3A_849, %sub3A_869 : i32
        %select_n3A_871 = arith.select %and3A_868, %sub3A_870, %div3A_849 : i32
        %mul3A_872 = arith.constant 8 : i32
        %mul3A_873 = arith.muli %select_n3A_871, %mul3A_872 : i32
        %add3A_874 = arith.addi %mul3A_2, %mul3A_873 : i32
        %dma_wait3A_875 = arith.constant 3 : i32
        %dma_wait3A_876 = arith.constant 0 : i32
        %dma_wait3A_877 = tpu.memref_slice %arg4[%dma_wait3A_875, %add3A_874, %dma_wait3A_876] : memref<4x4096x1024xf32, #tpu.memory_space<hbm>> -> memref<1x8x1024xf32, #tpu.memory_space<hbm>>
        %dma_wait3A_878 = tpu.memref_squeeze %dma_wait3A_877 : memref<1x8x1024xf32, #tpu.memory_space<hbm>> -> memref<8x1024xf32, #tpu.memory_space<hbm>>
        %dma_wait3A_879 = arith.constant 0 : i32
        %dma_wait3A_880 = tpu.memref_slice %arg4[%dma_wait3A_875, %add3A_874, %dma_wait3A_879] : memref<4x4096x1024xf32, #tpu.memory_space<hbm>> -> memref<1x8x1024xf32, #tpu.memory_space<hbm>>
        %dma_wait3A_881 = tpu.memref_squeeze %dma_wait3A_880 : memref<1x8x1024xf32, #tpu.memory_space<hbm>> -> memref<8x1024xf32, #tpu.memory_space<hbm>>
        tpu.wait_dma2 semaphore(%arg30 : memref<!tpu.dma_semaphore, #tpu.memory_space<semaphore_mem>>) src(%arg12 : memref<8x1024xf32, #tpu.memory_space<vmem>>) dst(%dma_wait3A_881 : memref<8x1024xf32, #tpu.memory_space<hbm>>)
      } else {
      }
      %jit3A_422 = arith.constant 4 : i32
      %div3A_423 = arith.divsi %add3A_416, %jit3A_422 : i32
      %sign3A_424 = arith.constant 0 : i32
      %sign3A_425 = arith.cmpi sgt, %add3A_416, %sign3A_424 : i32
      %sign3A_426 = arith.extui %sign3A_425 : i1 to i32
      %sign3A_427 = arith.constant 0 : i32
      %sign3A_428 = arith.cmpi slt, %add3A_416, %sign3A_427 : i32
      %sign3A_429 = arith.extui %sign3A_428 : i1 to i32
      %sign3A_430 = arith.subi %sign3A_426, %sign3A_429 : i32
      %sign3A_431 = arith.constant 0 : i32
      %sign3A_432 = arith.cmpi sgt, %jit3A_422, %sign3A_431 : i32
      %sign3A_433 = arith.extui %sign3A_432 : i1 to i32
      %sign3A_434 = arith.constant 0 : i32
      %sign3A_435 = arith.cmpi slt, %jit3A_422, %sign3A_434 : i32
      %sign3A_436 = arith.extui %sign3A_435 : i1 to i32
      %sign3A_437 = arith.subi %sign3A_433, %sign3A_436 : i32
      %ne3A_438 = arith.cmpi ne, %sign3A_430, %sign3A_437 : i32
      %rem3A_439 = arith.remsi %add3A_416, %jit3A_422 : i32
      %ne3A_440 = arith.constant 0 : i32
      %ne3A_441 = arith.cmpi ne, %rem3A_439, %ne3A_440 : i32
      %and3A_442 = arith.andi %ne3A_438, %ne3A_441 : i1
      %sub3A_443 = arith.constant 1 : i32
      %sub3A_444 = arith.subi %div3A_423, %sub3A_443 : i32
      %select_n3A_445 = arith.select %and3A_442, %sub3A_444, %div3A_423 : i32
      %mul3A_446 = arith.constant 8 : i32
      %mul3A_447 = arith.muli %select_n3A_445, %mul3A_446 : i32
      %add3A_448 = arith.addi %mul3A_2, %mul3A_447 : i32
      %dma_start3A_449 = arith.constant 3 : i32
      %dma_start3A_450 = arith.constant 0 : i32
      %dma_start3A_451 = tpu.memref_slice %arg2[%dma_start3A_449, %add3A_448, %dma_start3A_450] : memref<4x4096x1024xf32, #tpu.memory_space<hbm>> -> memref<1x8x1024xf32, #tpu.memory_space<hbm>>
      %dma_start3A_452 = tpu.memref_squeeze %dma_start3A_451 : memref<1x8x1024xf32, #tpu.memory_space<hbm>> -> memref<8x1024xf32, #tpu.memory_space<hbm>>
      %dma_start3A_453 = arith.constant 0 : i32
      %dma_start3A_454 = tpu.memref_slice %arg2[%dma_start3A_449, %add3A_448, %dma_start3A_453] : memref<4x4096x1024xf32, #tpu.memory_space<hbm>> -> memref<1x8x1024xf32, #tpu.memory_space<hbm>>
      %dma_start3A_455 = tpu.memref_squeeze %dma_start3A_454 : memref<1x8x1024xf32, #tpu.memory_space<hbm>> -> memref<8x1024xf32, #tpu.memory_space<hbm>>
      tpu.enqueue_dma source(%dma_start3A_455 : memref<8x1024xf32, #tpu.memory_space<hbm>>) target(%arg12 : memref<8x1024xf32, #tpu.memory_space<vmem>>) target_semaphore(%arg22 : memref<!tpu.dma_semaphore, #tpu.memory_space<semaphore_mem>>)
      %add3A_456 = arith.constant 4 : i32
      %add3A_457 = arith.addi %mul3A_92, %add3A_456 : i32
      %jit3A_458 = arith.constant 4 : i32
      %div3A_459 = arith.divsi %add3A_457, %jit3A_458 : i32
      %sign3A_460 = arith.constant 0 : i32
      %sign3A_461 = arith.cmpi sgt, %add3A_457, %sign3A_460 : i32
      %sign3A_462 = arith.extui %sign3A_461 : i1 to i32
      %sign3A_463 = arith.constant 0 : i32
      %sign3A_464 = arith.cmpi slt, %add3A_457, %sign3A_463 : i32
      %sign3A_465 = arith.extui %sign3A_464 : i1 to i32
      %sign3A_466 = arith.subi %sign3A_462, %sign3A_465 : i32
      %sign3A_467 = arith.constant 0 : i32
      %sign3A_468 = arith.cmpi sgt, %jit3A_458, %sign3A_467 : i32
      %sign3A_469 = arith.extui %sign3A_468 : i1 to i32
      %sign3A_470 = arith.constant 0 : i32
      %sign3A_471 = arith.cmpi slt, %jit3A_458, %sign3A_470 : i32
      %sign3A_472 = arith.extui %sign3A_471 : i1 to i32
      %sign3A_473 = arith.subi %sign3A_469, %sign3A_472 : i32
      %ne3A_474 = arith.cmpi ne, %sign3A_466, %sign3A_473 : i32
      %rem3A_475 = arith.remsi %add3A_457, %jit3A_458 : i32
      %ne3A_476 = arith.constant 0 : i32
      %ne3A_477 = arith.cmpi ne, %rem3A_475, %ne3A_476 : i32
      %and3A_478 = arith.andi %ne3A_474, %ne3A_477 : i1
      %sub3A_479 = arith.constant 1 : i32
      %sub3A_480 = arith.subi %div3A_459, %sub3A_479 : i32
      %select_n3A_481 = arith.select %and3A_478, %sub3A_480, %div3A_459 : i32
      %mul3A_482 = arith.constant 2 : i32
      %mul3A_483 = arith.muli %scan3A_90, %mul3A_482 : i32
      %add3A_484 = arith.constant 2 : i32
      %add3A_485 = arith.addi %mul3A_483, %add3A_484 : i32
      %lt3A = arith.constant 16 : i32
      %lt3A_486 = arith.cmpi slt, %add3A_485, %lt3A : i32
      %convert_element_type3A_487 = arith.extui %lt3A_486 : i1 to i32
      %cond3A_488 = arith.constant 0 : i32
      %cond3A_489 = arith.cmpi ne, %convert_element_type3A_487, %cond3A_488 : i32
      scf.if %cond3A_489 {
        %mul3A_848 = arith.constant 2 : i32
        %mul3A_849 = arith.muli %scan3A_90, %mul3A_848 : i32
        %add3A_850 = arith.constant 2 : i32
        %add3A_851 = arith.addi %mul3A_849, %add3A_850 : i32
        %mul3A_852 = arith.constant 8 : i32
        %mul3A_853 = arith.muli %add3A_851, %mul3A_852 : i32
        %add3A_854 = arith.addi %mul3A_2, %mul3A_853 : i32
        %dma_start3A_855 = arith.constant 0 : i32
        %dma_start3A_856 = tpu.memref_slice %arg3[%add3A_854, %dma_start3A_855] : memref<8192x1024xf32, #tpu.memory_space<hbm>> -> memref<8x1024xf32, #tpu.memory_space<hbm>>
        %dma_start3A_857 = arith.constant 0 : i32
        %dma_start3A_858 = tpu.memref_slice %arg3[%add3A_854, %dma_start3A_857] : memref<8192x1024xf32, #tpu.memory_space<hbm>> -> memref<8x1024xf32, #tpu.memory_space<hbm>>
        tpu.enqueue_dma source(%dma_start3A_858 : memref<8x1024xf32, #tpu.memory_space<hbm>>) target(%arg13 : memref<8x1024xf32, #tpu.memory_space<vmem>>) target_semaphore(%arg31 : memref<!tpu.dma_semaphore, #tpu.memory_space<semaphore_mem>>)
      } else {
      }
      %mul3A_490 = arith.constant 8 : i32
      %mul3A_491 = arith.muli %select_n3A_481, %mul3A_490 : i32
      %add3A_492 = arith.addi %mul3A_2, %mul3A_491 : i32
      %dma_wait3A_493 = arith.constant 0 : i32
      %dma_wait3A_494 = tpu.memref_slice %arg3[%add3A_492, %dma_wait3A_493] : memref<8192x1024xf32, #tpu.memory_space<hbm>> -> memref<8x1024xf32, #tpu.memory_space<hbm>>
      %dma_wait3A_495 = arith.constant 0 : i32
      %dma_wait3A_496 = tpu.memref_slice %arg3[%add3A_492, %dma_wait3A_495] : memref<8192x1024xf32, #tpu.memory_space<hbm>> -> memref<8x1024xf32, #tpu.memory_space<hbm>>
      tpu.wait_dma2 semaphore(%arg32 : memref<!tpu.dma_semaphore, #tpu.memory_space<semaphore_mem>>) src(%dma_wait3A_496 : memref<8x1024xf32, #tpu.memory_space<hbm>>) dst(%arg14 : memref<8x1024xf32, #tpu.memory_space<vmem>>)
      %mul3A_497 = arith.constant 8 : i32
      %mul3A_498 = arith.muli %select_n3A_481, %mul3A_497 : i32
      %add3A_499 = arith.addi %mul3A_2, %mul3A_498 : i32
      %dma_wait3A_500 = arith.constant 0 : i32
      %dma_wait3A_501 = arith.constant 0 : i32
      %dma_wait3A_502 = tpu.memref_slice %arg2[%dma_wait3A_500, %add3A_499, %dma_wait3A_501] : memref<4x4096x1024xf32, #tpu.memory_space<hbm>> -> memref<1x8x1024xf32, #tpu.memory_space<hbm>>
      %dma_wait3A_503 = tpu.memref_squeeze %dma_wait3A_502 : memref<1x8x1024xf32, #tpu.memory_space<hbm>> -> memref<8x1024xf32, #tpu.memory_space<hbm>>
      %dma_wait3A_504 = arith.constant 0 : i32
      %dma_wait3A_505 = tpu.memref_slice %arg2[%dma_wait3A_500, %add3A_499, %dma_wait3A_504] : memref<4x4096x1024xf32, #tpu.memory_space<hbm>> -> memref<1x8x1024xf32, #tpu.memory_space<hbm>>
      %dma_wait3A_506 = tpu.memref_squeeze %dma_wait3A_505 : memref<1x8x1024xf32, #tpu.memory_space<hbm>> -> memref<8x1024xf32, #tpu.memory_space<hbm>>
      tpu.wait_dma2 semaphore(%arg19 : memref<!tpu.dma_semaphore, #tpu.memory_space<semaphore_mem>>) src(%dma_wait3A_506 : memref<8x1024xf32, #tpu.memory_space<hbm>>) dst(%arg9 : memref<8x1024xf32, #tpu.memory_space<vmem>>)
      %parallel_loop3A_507 = arith.constant 0 : i32
      %parallel_loop3A_508 = arith.constant 8192 : i32
      %parallel_loop3A_509 = arith.constant 16 : i32
      scf.for %parallel_loop3A_848 = %parallel_loop3A_507 to %parallel_loop3A_508 step %parallel_loop3A_509  : i32 {
        %parallel_loop3A_849 = arith.constant 10 : i32
        %parallel_loop3A_850 = arith.shrui %parallel_loop3A_848, %parallel_loop3A_849 : i32
        %parallel_loop3A_851 = arith.constant 1023 : i32
        %parallel_loop3A_852 = arith.andi %parallel_loop3A_848, %parallel_loop3A_851 : i32
        %parallel_loop3A_853 = tpu.assume_multiple %parallel_loop3A_852, 16 : i32
        %parallel_loop3A_854 = arith.index_cast %parallel_loop3A_850 : i32 to index
        %parallel_loop3A_855 = arith.index_cast %parallel_loop3A_853 : i32 to index
        %parallel_loop3A_856 = tpu.vector_load %arg14[%parallel_loop3A_854, %parallel_loop3A_855] {strides = array<i32>} : memref<8x1024xf32, #tpu.memory_space<vmem>>, vector<1x16xf32>,
        %parallel_loop3A_857 = vector.shape_cast %parallel_loop3A_856 : vector<1x16xf32> to vector<16xf32>
        %parallel_loop3A_858 = arith.index_cast %parallel_loop3A_850 : i32 to index
        %parallel_loop3A_859 = arith.index_cast %parallel_loop3A_853 : i32 to index
        %parallel_loop3A_860 = tpu.vector_load %arg9[%parallel_loop3A_858, %parallel_loop3A_859] {strides = array<i32>} : memref<8x1024xf32, #tpu.memory_space<vmem>>, vector<1x16xf32>,
        %parallel_loop3A_861 = vector.shape_cast %parallel_loop3A_860 : vector<1x16xf32> to vector<16xf32>
        %parallel_loop3A_862 = vector.shape_cast %parallel_loop3A_857 : vector<16xf32> to vector<1x16xf32>
        tpu.vector_store %arg9[%parallel_loop3A_858, %parallel_loop3A_859], %parallel_loop3A_862 {add = true, strides = array<i32>} : memref<8x1024xf32, #tpu.memory_space<vmem>>, vector<1x16xf32>,
      } {sc.loop_unroll_factor = 8 : i64, sc.parallel_access}
      %mul3A_510 = arith.constant 8 : i32
      %mul3A_511 = arith.muli %select_n3A_481, %mul3A_510 : i32
      %add3A_512 = arith.addi %mul3A_2, %mul3A_511 : i32
      %dma_start3A_513 = arith.constant 0 : i32
      %dma_start3A_514 = arith.constant 0 : i32
      %dma_start3A_515 = tpu.memref_slice %arg4[%dma_start3A_513, %add3A_512, %dma_start3A_514] : memref<4x4096x1024xf32, #tpu.memory_space<hbm>> -> memref<1x8x1024xf32, #tpu.memory_space<hbm>>
      %dma_start3A_516 = tpu.memref_squeeze %dma_start3A_515 : memref<1x8x1024xf32, #tpu.memory_space<hbm>> -> memref<8x1024xf32, #tpu.memory_space<hbm>>
      %dma_start3A_517 = arith.constant 0 : i32
      %dma_start3A_518 = tpu.memref_slice %arg4[%dma_start3A_513, %add3A_512, %dma_start3A_517] : memref<4x4096x1024xf32, #tpu.memory_space<hbm>> -> memref<1x8x1024xf32, #tpu.memory_space<hbm>>
      %dma_start3A_519 = tpu.memref_squeeze %dma_start3A_518 : memref<1x8x1024xf32, #tpu.memory_space<hbm>> -> memref<8x1024xf32, #tpu.memory_space<hbm>>
      tpu.enqueue_dma source(%arg9 : memref<8x1024xf32, #tpu.memory_space<vmem>>) target(%dma_start3A_519 : memref<8x1024xf32, #tpu.memory_space<hbm>>) target_semaphore(%arg27 : memref<!tpu.dma_semaphore, #tpu.memory_space<semaphore_mem>>)
      %sub3A_520 = arith.constant 4 : i32
      %sub3A_521 = arith.subi %add3A_457, %sub3A_520 : i32
      %add3A_522 = arith.constant 4 : i32
      %add3A_523 = arith.addi %add3A_457, %add3A_522 : i32
      %jit3A_524 = arith.constant 4 : i32
      %div3A_525 = arith.divsi %sub3A_521, %jit3A_524 : i32
      %sign3A_526 = arith.constant 0 : i32
      %sign3A_527 = arith.cmpi sgt, %sub3A_521, %sign3A_526 : i32
      %sign3A_528 = arith.extui %sign3A_527 : i1 to i32
      %sign3A_529 = arith.constant 0 : i32
      %sign3A_530 = arith.cmpi slt, %sub3A_521, %sign3A_529 : i32
      %sign3A_531 = arith.extui %sign3A_530 : i1 to i32
      %sign3A_532 = arith.subi %sign3A_528, %sign3A_531 : i32
      %sign3A_533 = arith.constant 0 : i32
      %sign3A_534 = arith.cmpi sgt, %jit3A_524, %sign3A_533 : i32
      %sign3A_535 = arith.extui %sign3A_534 : i1 to i32
      %sign3A_536 = arith.constant 0 : i32
      %sign3A_537 = arith.cmpi slt, %jit3A_524, %sign3A_536 : i32
      %sign3A_538 = arith.extui %sign3A_537 : i1 to i32
      %sign3A_539 = arith.subi %sign3A_535, %sign3A_538 : i32
      %ne3A_540 = arith.cmpi ne, %sign3A_532, %sign3A_539 : i32
      %rem3A_541 = arith.remsi %sub3A_521, %jit3A_524 : i32
      %ne3A_542 = arith.constant 0 : i32
      %ne3A_543 = arith.cmpi ne, %rem3A_541, %ne3A_542 : i32
      %and3A_544 = arith.andi %ne3A_540, %ne3A_543 : i1
      %sub3A_545 = arith.constant 1 : i32
      %sub3A_546 = arith.subi %div3A_525, %sub3A_545 : i32
      %select_n3A_547 = arith.select %and3A_544, %sub3A_546, %div3A_525 : i32
      %mul3A_548 = arith.constant 8 : i32
      %mul3A_549 = arith.muli %select_n3A_547, %mul3A_548 : i32
      %add3A_550 = arith.addi %mul3A_2, %mul3A_549 : i32
      %dma_wait3A_551 = arith.constant 0 : i32
      %dma_wait3A_552 = arith.constant 0 : i32
      %dma_wait3A_553 = tpu.memref_slice %arg4[%dma_wait3A_551, %add3A_550, %dma_wait3A_552] : memref<4x4096x1024xf32, #tpu.memory_space<hbm>> -> memref<1x8x1024xf32, #tpu.memory_space<hbm>>
      %dma_wait3A_554 = tpu.memref_squeeze %dma_wait3A_553 : memref<1x8x1024xf32, #tpu.memory_space<hbm>> -> memref<8x1024xf32, #tpu.memory_space<hbm>>
      %dma_wait3A_555 = arith.constant 0 : i32
      %dma_wait3A_556 = tpu.memref_slice %arg4[%dma_wait3A_551, %add3A_550, %dma_wait3A_555] : memref<4x4096x1024xf32, #tpu.memory_space<hbm>> -> memref<1x8x1024xf32, #tpu.memory_space<hbm>>
      %dma_wait3A_557 = tpu.memref_squeeze %dma_wait3A_556 : memref<1x8x1024xf32, #tpu.memory_space<hbm>> -> memref<8x1024xf32, #tpu.memory_space<hbm>>
      tpu.wait_dma2 semaphore(%arg23 : memref<!tpu.dma_semaphore, #tpu.memory_space<semaphore_mem>>) src(%arg5 : memref<8x1024xf32, #tpu.memory_space<vmem>>) dst(%dma_wait3A_557 : memref<8x1024xf32, #tpu.memory_space<hbm>>)
      %lt3A_558 = arith.constant 7 : i32
      %lt3A_559 = arith.cmpi slt, %scan3A_90, %lt3A_558 : i32
      %convert_element_type3A_560 = arith.extui %lt3A_559 : i1 to i32
      %cond3A_561 = arith.constant 0 : i32
      %cond3A_562 = arith.cmpi ne, %convert_element_type3A_560, %cond3A_561 : i32
      scf.if %cond3A_562 {
        %jit3A_848 = arith.constant 4 : i32
        %div3A_849 = arith.divsi %add3A_523, %jit3A_848 : i32
        %sign3A_850 = arith.constant 0 : i32
        %sign3A_851 = arith.cmpi sgt, %add3A_523, %sign3A_850 : i32
        %sign3A_852 = arith.extui %sign3A_851 : i1 to i32
        %sign3A_853 = arith.constant 0 : i32
        %sign3A_854 = arith.cmpi slt, %add3A_523, %sign3A_853 : i32
        %sign3A_855 = arith.extui %sign3A_854 : i1 to i32
        %sign3A_856 = arith.subi %sign3A_852, %sign3A_855 : i32
        %sign3A_857 = arith.constant 0 : i32
        %sign3A_858 = arith.cmpi sgt, %jit3A_848, %sign3A_857 : i32
        %sign3A_859 = arith.extui %sign3A_858 : i1 to i32
        %sign3A_860 = arith.constant 0 : i32
        %sign3A_861 = arith.cmpi slt, %jit3A_848, %sign3A_860 : i32
        %sign3A_862 = arith.extui %sign3A_861 : i1 to i32
        %sign3A_863 = arith.subi %sign3A_859, %sign3A_862 : i32
        %ne3A_864 = arith.cmpi ne, %sign3A_856, %sign3A_863 : i32
        %rem3A_865 = arith.remsi %add3A_523, %jit3A_848 : i32
        %ne3A_866 = arith.constant 0 : i32
        %ne3A_867 = arith.cmpi ne, %rem3A_865, %ne3A_866 : i32
        %and3A_868 = arith.andi %ne3A_864, %ne3A_867 : i1
        %sub3A_869 = arith.constant 1 : i32
        %sub3A_870 = arith.subi %div3A_849, %sub3A_869 : i32
        %select_n3A_871 = arith.select %and3A_868, %sub3A_870, %div3A_849 : i32
        %mul3A_872 = arith.constant 8 : i32
        %mul3A_873 = arith.muli %select_n3A_871, %mul3A_872 : i32
        %add3A_874 = arith.addi %mul3A_2, %mul3A_873 : i32
        %dma_start3A_875 = arith.constant 0 : i32
        %dma_start3A_876 = arith.constant 0 : i32
        %dma_start3A_877 = tpu.memref_slice %arg2[%dma_start3A_875, %add3A_874, %dma_start3A_876] : memref<4x4096x1024xf32, #tpu.memory_space<hbm>> -> memref<1x8x1024xf32, #tpu.memory_space<hbm>>
        %dma_start3A_878 = tpu.memref_squeeze %dma_start3A_877 : memref<1x8x1024xf32, #tpu.memory_space<hbm>> -> memref<8x1024xf32, #tpu.memory_space<hbm>>
        %dma_start3A_879 = arith.constant 0 : i32
        %dma_start3A_880 = tpu.memref_slice %arg2[%dma_start3A_875, %add3A_874, %dma_start3A_879] : memref<4x4096x1024xf32, #tpu.memory_space<hbm>> -> memref<1x8x1024xf32, #tpu.memory_space<hbm>>
        %dma_start3A_881 = tpu.memref_squeeze %dma_start3A_880 : memref<1x8x1024xf32, #tpu.memory_space<hbm>> -> memref<8x1024xf32, #tpu.memory_space<hbm>>
        tpu.enqueue_dma source(%dma_start3A_881 : memref<8x1024xf32, #tpu.memory_space<hbm>>) target(%arg5 : memref<8x1024xf32, #tpu.memory_space<vmem>>) target_semaphore(%arg15 : memref<!tpu.dma_semaphore, #tpu.memory_space<semaphore_mem>>)
      } else {
      }
      %add3A_563 = arith.constant 5 : i32
      %add3A_564 = arith.addi %mul3A_92, %add3A_563 : i32
      %jit3A_565 = arith.constant 4 : i32
      %div3A_566 = arith.divsi %add3A_564, %jit3A_565 : i32
      %sign3A_567 = arith.constant 0 : i32
      %sign3A_568 = arith.cmpi sgt, %add3A_564, %sign3A_567 : i32
      %sign3A_569 = arith.extui %sign3A_568 : i1 to i32
      %sign3A_570 = arith.constant 0 : i32
      %sign3A_571 = arith.cmpi slt, %add3A_564, %sign3A_570 : i32
      %sign3A_572 = arith.extui %sign3A_571 : i1 to i32
      %sign3A_573 = arith.subi %sign3A_569, %sign3A_572 : i32
      %sign3A_574 = arith.constant 0 : i32
      %sign3A_575 = arith.cmpi sgt, %jit3A_565, %sign3A_574 : i32
      %sign3A_576 = arith.extui %sign3A_575 : i1 to i32
      %sign3A_577 = arith.constant 0 : i32
      %sign3A_578 = arith.cmpi slt, %jit3A_565, %sign3A_577 : i32
      %sign3A_579 = arith.extui %sign3A_578 : i1 to i32
      %sign3A_580 = arith.subi %sign3A_576, %sign3A_579 : i32
      %ne3A_581 = arith.cmpi ne, %sign3A_573, %sign3A_580 : i32
      %rem3A_582 = arith.remsi %add3A_564, %jit3A_565 : i32
      %ne3A_583 = arith.constant 0 : i32
      %ne3A_584 = arith.cmpi ne, %rem3A_582, %ne3A_583 : i32
      %and3A_585 = arith.andi %ne3A_581, %ne3A_584 : i1
      %sub3A_586 = arith.constant 1 : i32
      %sub3A_587 = arith.subi %div3A_566, %sub3A_586 : i32
      %select_n3A_588 = arith.select %and3A_585, %sub3A_587, %div3A_566 : i32
      %mul3A_589 = arith.constant 8 : i32
      %mul3A_590 = arith.muli %select_n3A_588, %mul3A_589 : i32
      %add3A_591 = arith.addi %mul3A_2, %mul3A_590 : i32
      %dma_wait3A_592 = arith.constant 1 : i32
      %dma_wait3A_593 = arith.constant 0 : i32
      %dma_wait3A_594 = tpu.memref_slice %arg2[%dma_wait3A_592, %add3A_591, %dma_wait3A_593] : memref<4x4096x1024xf32, #tpu.memory_space<hbm>> -> memref<1x8x1024xf32, #tpu.memory_space<hbm>>
      %dma_wait3A_595 = tpu.memref_squeeze %dma_wait3A_594 : memref<1x8x1024xf32, #tpu.memory_space<hbm>> -> memref<8x1024xf32, #tpu.memory_space<hbm>>
      %dma_wait3A_596 = arith.constant 0 : i32
      %dma_wait3A_597 = tpu.memref_slice %arg2[%dma_wait3A_592, %add3A_591, %dma_wait3A_596] : memref<4x4096x1024xf32, #tpu.memory_space<hbm>> -> memref<1x8x1024xf32, #tpu.memory_space<hbm>>
      %dma_wait3A_598 = tpu.memref_squeeze %dma_wait3A_597 : memref<1x8x1024xf32, #tpu.memory_space<hbm>> -> memref<8x1024xf32, #tpu.memory_space<hbm>>
      tpu.wait_dma2 semaphore(%arg20 : memref<!tpu.dma_semaphore, #tpu.memory_space<semaphore_mem>>) src(%dma_wait3A_598 : memref<8x1024xf32, #tpu.memory_space<hbm>>) dst(%arg10 : memref<8x1024xf32, #tpu.memory_space<vmem>>)
      %parallel_loop3A_599 = arith.constant 0 : i32
      %parallel_loop3A_600 = arith.constant 8192 : i32
      %parallel_loop3A_601 = arith.constant 16 : i32
      scf.for %parallel_loop3A_848 = %parallel_loop3A_599 to %parallel_loop3A_600 step %parallel_loop3A_601  : i32 {
        %parallel_loop3A_849 = arith.constant 10 : i32
        %parallel_loop3A_850 = arith.shrui %parallel_loop3A_848, %parallel_loop3A_849 : i32
        %parallel_loop3A_851 = arith.constant 1023 : i32
        %parallel_loop3A_852 = arith.andi %parallel_loop3A_848, %parallel_loop3A_851 : i32
        %parallel_loop3A_853 = tpu.assume_multiple %parallel_loop3A_852, 16 : i32
        %parallel_loop3A_854 = arith.index_cast %parallel_loop3A_850 : i32 to index
        %parallel_loop3A_855 = arith.index_cast %parallel_loop3A_853 : i32 to index
        %parallel_loop3A_856 = tpu.vector_load %arg14[%parallel_loop3A_854, %parallel_loop3A_855] {strides = array<i32>} : memref<8x1024xf32, #tpu.memory_space<vmem>>, vector<1x16xf32>,
        %parallel_loop3A_857 = vector.shape_cast %parallel_loop3A_856 : vector<1x16xf32> to vector<16xf32>
        %parallel_loop3A_858 = arith.index_cast %parallel_loop3A_850 : i32 to index
        %parallel_loop3A_859 = arith.index_cast %parallel_loop3A_853 : i32 to index
        %parallel_loop3A_860 = tpu.vector_load %arg10[%parallel_loop3A_858, %parallel_loop3A_859] {strides = array<i32>} : memref<8x1024xf32, #tpu.memory_space<vmem>>, vector<1x16xf32>,
        %parallel_loop3A_861 = vector.shape_cast %parallel_loop3A_860 : vector<1x16xf32> to vector<16xf32>
        %parallel_loop3A_862 = vector.shape_cast %parallel_loop3A_857 : vector<16xf32> to vector<1x16xf32>
        tpu.vector_store %arg10[%parallel_loop3A_858, %parallel_loop3A_859], %parallel_loop3A_862 {add = true, strides = array<i32>} : memref<8x1024xf32, #tpu.memory_space<vmem>>, vector<1x16xf32>,
      } {sc.loop_unroll_factor = 8 : i64, sc.parallel_access}
      %mul3A_602 = arith.constant 8 : i32
      %mul3A_603 = arith.muli %select_n3A_588, %mul3A_602 : i32
      %add3A_604 = arith.addi %mul3A_2, %mul3A_603 : i32
      %dma_start3A_605 = arith.constant 1 : i32
      %dma_start3A_606 = arith.constant 0 : i32
      %dma_start3A_607 = tpu.memref_slice %arg4[%dma_start3A_605, %add3A_604, %dma_start3A_606] : memref<4x4096x1024xf32, #tpu.memory_space<hbm>> -> memref<1x8x1024xf32, #tpu.memory_space<hbm>>
      %dma_start3A_608 = tpu.memref_squeeze %dma_start3A_607 : memref<1x8x1024xf32, #tpu.memory_space<hbm>> -> memref<8x1024xf32, #tpu.memory_space<hbm>>
      %dma_start3A_609 = arith.constant 0 : i32
      %dma_start3A_610 = tpu.memref_slice %arg4[%dma_start3A_605, %add3A_604, %dma_start3A_609] : memref<4x4096x1024xf32, #tpu.memory_space<hbm>> -> memref<1x8x1024xf32, #tpu.memory_space<hbm>>
      %dma_start3A_611 = tpu.memref_squeeze %dma_start3A_610 : memref<1x8x1024xf32, #tpu.memory_space<hbm>> -> memref<8x1024xf32, #tpu.memory_space<hbm>>
      tpu.enqueue_dma source(%arg10 : memref<8x1024xf32, #tpu.memory_space<vmem>>) target(%dma_start3A_611 : memref<8x1024xf32, #tpu.memory_space<hbm>>) target_semaphore(%arg28 : memref<!tpu.dma_semaphore, #tpu.memory_space<semaphore_mem>>)
      %sub3A_612 = arith.constant 4 : i32
      %sub3A_613 = arith.subi %add3A_564, %sub3A_612 : i32
      %add3A_614 = arith.constant 4 : i32
      %add3A_615 = arith.addi %add3A_564, %add3A_614 : i32
      %jit3A_616 = arith.constant 4 : i32
      %div3A_617 = arith.divsi %sub3A_613, %jit3A_616 : i32
      %sign3A_618 = arith.constant 0 : i32
      %sign3A_619 = arith.cmpi sgt, %sub3A_613, %sign3A_618 : i32
      %sign3A_620 = arith.extui %sign3A_619 : i1 to i32
      %sign3A_621 = arith.constant 0 : i32
      %sign3A_622 = arith.cmpi slt, %sub3A_613, %sign3A_621 : i32
      %sign3A_623 = arith.extui %sign3A_622 : i1 to i32
      %sign3A_624 = arith.subi %sign3A_620, %sign3A_623 : i32
      %sign3A_625 = arith.constant 0 : i32
      %sign3A_626 = arith.cmpi sgt, %jit3A_616, %sign3A_625 : i32
      %sign3A_627 = arith.extui %sign3A_626 : i1 to i32
      %sign3A_628 = arith.constant 0 : i32
      %sign3A_629 = arith.cmpi slt, %jit3A_616, %sign3A_628 : i32
      %sign3A_630 = arith.extui %sign3A_629 : i1 to i32
      %sign3A_631 = arith.subi %sign3A_627, %sign3A_630 : i32
      %ne3A_632 = arith.cmpi ne, %sign3A_624, %sign3A_631 : i32
      %rem3A_633 = arith.remsi %sub3A_613, %jit3A_616 : i32
      %ne3A_634 = arith.constant 0 : i32
      %ne3A_635 = arith.cmpi ne, %rem3A_633, %ne3A_634 : i32
      %and3A_636 = arith.andi %ne3A_632, %ne3A_635 : i1
      %sub3A_637 = arith.constant 1 : i32
      %sub3A_638 = arith.subi %div3A_617, %sub3A_637 : i32
      %select_n3A_639 = arith.select %and3A_636, %sub3A_638, %div3A_617 : i32
      %mul3A_640 = arith.constant 8 : i32
      %mul3A_641 = arith.muli %select_n3A_639, %mul3A_640 : i32
      %add3A_642 = arith.addi %mul3A_2, %mul3A_641 : i32
      %dma_wait3A_643 = arith.constant 1 : i32
      %dma_wait3A_644 = arith.constant 0 : i32
      %dma_wait3A_645 = tpu.memref_slice %arg4[%dma_wait3A_643, %add3A_642, %dma_wait3A_644] : memref<4x4096x1024xf32, #tpu.memory_space<hbm>> -> memref<1x8x1024xf32, #tpu.memory_space<hbm>>
      %dma_wait3A_646 = tpu.memref_squeeze %dma_wait3A_645 : memref<1x8x1024xf32, #tpu.memory_space<hbm>> -> memref<8x1024xf32, #tpu.memory_space<hbm>>
      %dma_wait3A_647 = arith.constant 0 : i32
      %dma_wait3A_648 = tpu.memref_slice %arg4[%dma_wait3A_643, %add3A_642, %dma_wait3A_647] : memref<4x4096x1024xf32, #tpu.memory_space<hbm>> -> memref<1x8x1024xf32, #tpu.memory_space<hbm>>
      %dma_wait3A_649 = tpu.memref_squeeze %dma_wait3A_648 : memref<1x8x1024xf32, #tpu.memory_space<hbm>> -> memref<8x1024xf32, #tpu.memory_space<hbm>>
      tpu.wait_dma2 semaphore(%arg24 : memref<!tpu.dma_semaphore, #tpu.memory_space<semaphore_mem>>) src(%arg6 : memref<8x1024xf32, #tpu.memory_space<vmem>>) dst(%dma_wait3A_649 : memref<8x1024xf32, #tpu.memory_space<hbm>>)
      %lt3A_650 = arith.constant 7 : i32
      %lt3A_651 = arith.cmpi slt, %scan3A_90, %lt3A_650 : i32
      %convert_element_type3A_652 = arith.extui %lt3A_651 : i1 to i32
      %cond3A_653 = arith.constant 0 : i32
      %cond3A_654 = arith.cmpi ne, %convert_element_type3A_652, %cond3A_653 : i32
      scf.if %cond3A_654 {
        %jit3A_848 = arith.constant 4 : i32
        %div3A_849 = arith.divsi %add3A_615, %jit3A_848 : i32
        %sign3A_850 = arith.constant 0 : i32
        %sign3A_851 = arith.cmpi sgt, %add3A_615, %sign3A_850 : i32
        %sign3A_852 = arith.extui %sign3A_851 : i1 to i32
        %sign3A_853 = arith.constant 0 : i32
        %sign3A_854 = arith.cmpi slt, %add3A_615, %sign3A_853 : i32
        %sign3A_855 = arith.extui %sign3A_854 : i1 to i32
        %sign3A_856 = arith.subi %sign3A_852, %sign3A_855 : i32
        %sign3A_857 = arith.constant 0 : i32
        %sign3A_858 = arith.cmpi sgt, %jit3A_848, %sign3A_857 : i32
        %sign3A_859 = arith.extui %sign3A_858 : i1 to i32
        %sign3A_860 = arith.constant 0 : i32
        %sign3A_861 = arith.cmpi slt, %jit3A_848, %sign3A_860 : i32
        %sign3A_862 = arith.extui %sign3A_861 : i1 to i32
        %sign3A_863 = arith.subi %sign3A_859, %sign3A_862 : i32
        %ne3A_864 = arith.cmpi ne, %sign3A_856, %sign3A_863 : i32
        %rem3A_865 = arith.remsi %add3A_615, %jit3A_848 : i32
        %ne3A_866 = arith.constant 0 : i32
        %ne3A_867 = arith.cmpi ne, %rem3A_865, %ne3A_866 : i32
        %and3A_868 = arith.andi %ne3A_864, %ne3A_867 : i1
        %sub3A_869 = arith.constant 1 : i32
        %sub3A_870 = arith.subi %div3A_849, %sub3A_869 : i32
        %select_n3A_871 = arith.select %and3A_868, %sub3A_870, %div3A_849 : i32
        %mul3A_872 = arith.constant 8 : i32
        %mul3A_873 = arith.muli %select_n3A_871, %mul3A_872 : i32
        %add3A_874 = arith.addi %mul3A_2, %mul3A_873 : i32
        %dma_start3A_875 = arith.constant 1 : i32
        %dma_start3A_876 = arith.constant 0 : i32
        %dma_start3A_877 = tpu.memref_slice %arg2[%dma_start3A_875, %add3A_874, %dma_start3A_876] : memref<4x4096x1024xf32, #tpu.memory_space<hbm>> -> memref<1x8x1024xf32, #tpu.memory_space<hbm>>
        %dma_start3A_878 = tpu.memref_squeeze %dma_start3A_877 : memref<1x8x1024xf32, #tpu.memory_space<hbm>> -> memref<8x1024xf32, #tpu.memory_space<hbm>>
        %dma_start3A_879 = arith.constant 0 : i32
        %dma_start3A_880 = tpu.memref_slice %arg2[%dma_start3A_875, %add3A_874, %dma_start3A_879] : memref<4x4096x1024xf32, #tpu.memory_space<hbm>> -> memref<1x8x1024xf32, #tpu.memory_space<hbm>>
        %dma_start3A_881 = tpu.memref_squeeze %dma_start3A_880 : memref<1x8x1024xf32, #tpu.memory_space<hbm>> -> memref<8x1024xf32, #tpu.memory_space<hbm>>
        tpu.enqueue_dma source(%dma_start3A_881 : memref<8x1024xf32, #tpu.memory_space<hbm>>) target(%arg6 : memref<8x1024xf32, #tpu.memory_space<vmem>>) target_semaphore(%arg16 : memref<!tpu.dma_semaphore, #tpu.memory_space<semaphore_mem>>)
      } else {
      }
      %add3A_655 = arith.constant 6 : i32
      %add3A_656 = arith.addi %mul3A_92, %add3A_655 : i32
      %jit3A_657 = arith.constant 4 : i32
      %div3A_658 = arith.divsi %add3A_656, %jit3A_657 : i32
      %sign3A_659 = arith.constant 0 : i32
      %sign3A_660 = arith.cmpi sgt, %add3A_656, %sign3A_659 : i32
      %sign3A_661 = arith.extui %sign3A_660 : i1 to i32
      %sign3A_662 = arith.constant 0 : i32
      %sign3A_663 = arith.cmpi slt, %add3A_656, %sign3A_662 : i32
      %sign3A_664 = arith.extui %sign3A_663 : i1 to i32
      %sign3A_665 = arith.subi %sign3A_661, %sign3A_664 : i32
      %sign3A_666 = arith.constant 0 : i32
      %sign3A_667 = arith.cmpi sgt, %jit3A_657, %sign3A_666 : i32
      %sign3A_668 = arith.extui %sign3A_667 : i1 to i32
      %sign3A_669 = arith.constant 0 : i32
      %sign3A_670 = arith.cmpi slt, %jit3A_657, %sign3A_669 : i32
      %sign3A_671 = arith.extui %sign3A_670 : i1 to i32
      %sign3A_672 = arith.subi %sign3A_668, %sign3A_671 : i32
      %ne3A_673 = arith.cmpi ne, %sign3A_665, %sign3A_672 : i32
      %rem3A_674 = arith.remsi %add3A_656, %jit3A_657 : i32
      %ne3A_675 = arith.constant 0 : i32
      %ne3A_676 = arith.cmpi ne, %rem3A_674, %ne3A_675 : i32
      %and3A_677 = arith.andi %ne3A_673, %ne3A_676 : i1
      %sub3A_678 = arith.constant 1 : i32
      %sub3A_679 = arith.subi %div3A_658, %sub3A_678 : i32
      %select_n3A_680 = arith.select %and3A_677, %sub3A_679, %div3A_658 : i32
      %mul3A_681 = arith.constant 8 : i32
      %mul3A_682 = arith.muli %select_n3A_680, %mul3A_681 : i32
      %add3A_683 = arith.addi %mul3A_2, %mul3A_682 : i32
      %dma_wait3A_684 = arith.constant 2 : i32
      %dma_wait3A_685 = arith.constant 0 : i32
      %dma_wait3A_686 = tpu.memref_slice %arg2[%dma_wait3A_684, %add3A_683, %dma_wait3A_685] : memref<4x4096x1024xf32, #tpu.memory_space<hbm>> -> memref<1x8x1024xf32, #tpu.memory_space<hbm>>
      %dma_wait3A_687 = tpu.memref_squeeze %dma_wait3A_686 : memref<1x8x1024xf32, #tpu.memory_space<hbm>> -> memref<8x1024xf32, #tpu.memory_space<hbm>>
      %dma_wait3A_688 = arith.constant 0 : i32
      %dma_wait3A_689 = tpu.memref_slice %arg2[%dma_wait3A_684, %add3A_683, %dma_wait3A_688] : memref<4x4096x1024xf32, #tpu.memory_space<hbm>> -> memref<1x8x1024xf32, #tpu.memory_space<hbm>>
      %dma_wait3A_690 = tpu.memref_squeeze %dma_wait3A_689 : memref<1x8x1024xf32, #tpu.memory_space<hbm>> -> memref<8x1024xf32, #tpu.memory_space<hbm>>
      tpu.wait_dma2 semaphore(%arg21 : memref<!tpu.dma_semaphore, #tpu.memory_space<semaphore_mem>>) src(%dma_wait3A_690 : memref<8x1024xf32, #tpu.memory_space<hbm>>) dst(%arg11 : memref<8x1024xf32, #tpu.memory_space<vmem>>)
      %parallel_loop3A_691 = arith.constant 0 : i32
      %parallel_loop3A_692 = arith.constant 8192 : i32
      %parallel_loop3A_693 = arith.constant 16 : i32
      scf.for %parallel_loop3A_848 = %parallel_loop3A_691 to %parallel_loop3A_692 step %parallel_loop3A_693  : i32 {
        %parallel_loop3A_849 = arith.constant 10 : i32
        %parallel_loop3A_850 = arith.shrui %parallel_loop3A_848, %parallel_loop3A_849 : i32
        %parallel_loop3A_851 = arith.constant 1023 : i32
        %parallel_loop3A_852 = arith.andi %parallel_loop3A_848, %parallel_loop3A_851 : i32
        %parallel_loop3A_853 = tpu.assume_multiple %parallel_loop3A_852, 16 : i32
        %parallel_loop3A_854 = arith.index_cast %parallel_loop3A_850 : i32 to index
        %parallel_loop3A_855 = arith.index_cast %parallel_loop3A_853 : i32 to index
        %parallel_loop3A_856 = tpu.vector_load %arg14[%parallel_loop3A_854, %parallel_loop3A_855] {strides = array<i32>} : memref<8x1024xf32, #tpu.memory_space<vmem>>, vector<1x16xf32>,
        %parallel_loop3A_857 = vector.shape_cast %parallel_loop3A_856 : vector<1x16xf32> to vector<16xf32>
        %parallel_loop3A_858 = arith.index_cast %parallel_loop3A_850 : i32 to index
        %parallel_loop3A_859 = arith.index_cast %parallel_loop3A_853 : i32 to index
        %parallel_loop3A_860 = tpu.vector_load %arg11[%parallel_loop3A_858, %parallel_loop3A_859] {strides = array<i32>} : memref<8x1024xf32, #tpu.memory_space<vmem>>, vector<1x16xf32>,
        %parallel_loop3A_861 = vector.shape_cast %parallel_loop3A_860 : vector<1x16xf32> to vector<16xf32>
        %parallel_loop3A_862 = vector.shape_cast %parallel_loop3A_857 : vector<16xf32> to vector<1x16xf32>
        tpu.vector_store %arg11[%parallel_loop3A_858, %parallel_loop3A_859], %parallel_loop3A_862 {add = true, strides = array<i32>} : memref<8x1024xf32, #tpu.memory_space<vmem>>, vector<1x16xf32>,
      } {sc.loop_unroll_factor = 8 : i64, sc.parallel_access}
      %mul3A_694 = arith.constant 8 : i32
      %mul3A_695 = arith.muli %select_n3A_680, %mul3A_694 : i32
      %add3A_696 = arith.addi %mul3A_2, %mul3A_695 : i32
      %dma_start3A_697 = arith.constant 2 : i32
      %dma_start3A_698 = arith.constant 0 : i32
      %dma_start3A_699 = tpu.memref_slice %arg4[%dma_start3A_697, %add3A_696, %dma_start3A_698] : memref<4x4096x1024xf32, #tpu.memory_space<hbm>> -> memref<1x8x1024xf32, #tpu.memory_space<hbm>>
      %dma_start3A_700 = tpu.memref_squeeze %dma_start3A_699 : memref<1x8x1024xf32, #tpu.memory_space<hbm>> -> memref<8x1024xf32, #tpu.memory_space<hbm>>
      %dma_start3A_701 = arith.constant 0 : i32
      %dma_start3A_702 = tpu.memref_slice %arg4[%dma_start3A_697, %add3A_696, %dma_start3A_701] : memref<4x4096x1024xf32, #tpu.memory_space<hbm>> -> memref<1x8x1024xf32, #tpu.memory_space<hbm>>
      %dma_start3A_703 = tpu.memref_squeeze %dma_start3A_702 : memref<1x8x1024xf32, #tpu.memory_space<hbm>> -> memref<8x1024xf32, #tpu.memory_space<hbm>>
      tpu.enqueue_dma source(%arg11 : memref<8x1024xf32, #tpu.memory_space<vmem>>) target(%dma_start3A_703 : memref<8x1024xf32, #tpu.memory_space<hbm>>) target_semaphore(%arg29 : memref<!tpu.dma_semaphore, #tpu.memory_space<semaphore_mem>>)
      %sub3A_704 = arith.constant 4 : i32
      %sub3A_705 = arith.subi %add3A_656, %sub3A_704 : i32
      %add3A_706 = arith.constant 4 : i32
      %add3A_707 = arith.addi %add3A_656, %add3A_706 : i32
      %jit3A_708 = arith.constant 4 : i32
      %div3A_709 = arith.divsi %sub3A_705, %jit3A_708 : i32
      %sign3A_710 = arith.constant 0 : i32
      %sign3A_711 = arith.cmpi sgt, %sub3A_705, %sign3A_710 : i32
      %sign3A_712 = arith.extui %sign3A_711 : i1 to i32
      %sign3A_713 = arith.constant 0 : i32
      %sign3A_714 = arith.cmpi slt, %sub3A_705, %sign3A_713 : i32
      %sign3A_715 = arith.extui %sign3A_714 : i1 to i32
      %sign3A_716 = arith.subi %sign3A_712, %sign3A_715 : i32
      %sign3A_717 = arith.constant 0 : i32
      %sign3A_718 = arith.cmpi sgt, %jit3A_708, %sign3A_717 : i32
      %sign3A_719 = arith.extui %sign3A_718 : i1 to i32
      %sign3A_720 = arith.constant 0 : i32
      %sign3A_721 = arith.cmpi slt, %jit3A_708, %sign3A_720 : i32
      %sign3A_722 = arith.extui %sign3A_721 : i1 to i32
      %sign3A_723 = arith.subi %sign3A_719, %sign3A_722 : i32
      %ne3A_724 = arith.cmpi ne, %sign3A_716, %sign3A_723 : i32
      %rem3A_725 = arith.remsi %sub3A_705, %jit3A_708 : i32
      %ne3A_726 = arith.constant 0 : i32
      %ne3A_727 = arith.cmpi ne, %rem3A_725, %ne3A_726 : i32
      %and3A_728 = arith.andi %ne3A_724, %ne3A_727 : i1
      %sub3A_729 = arith.constant 1 : i32
      %sub3A_730 = arith.subi %div3A_709, %sub3A_729 : i32
      %select_n3A_731 = arith.select %and3A_728, %sub3A_730, %div3A_709 : i32
      %mul3A_732 = arith.constant 8 : i32
      %mul3A_733 = arith.muli %select_n3A_731, %mul3A_732 : i32
      %add3A_734 = arith.addi %mul3A_2, %mul3A_733 : i32
      %dma_wait3A_735 = arith.constant 2 : i32
      %dma_wait3A_736 = arith.constant 0 : i32
      %dma_wait3A_737 = tpu.memref_slice %arg4[%dma_wait3A_735, %add3A_734, %dma_wait3A_736] : memref<4x4096x1024xf32, #tpu.memory_space<hbm>> -> memref<1x8x1024xf32, #tpu.memory_space<hbm>>
      %dma_wait3A_738 = tpu.memref_squeeze %dma_wait3A_737 : memref<1x8x1024xf32, #tpu.memory_space<hbm>> -> memref<8x1024xf32, #tpu.memory_space<hbm>>
      %dma_wait3A_739 = arith.constant 0 : i32
      %dma_wait3A_740 = tpu.memref_slice %arg4[%dma_wait3A_735, %add3A_734, %dma_wait3A_739] : memref<4x4096x1024xf32, #tpu.memory_space<hbm>> -> memref<1x8x1024xf32, #tpu.memory_space<hbm>>
      %dma_wait3A_741 = tpu.memref_squeeze %dma_wait3A_740 : memref<1x8x1024xf32, #tpu.memory_space<hbm>> -> memref<8x1024xf32, #tpu.memory_space<hbm>>
      tpu.wait_dma2 semaphore(%arg25 : memref<!tpu.dma_semaphore, #tpu.memory_space<semaphore_mem>>) src(%arg7 : memref<8x1024xf32, #tpu.memory_space<vmem>>) dst(%dma_wait3A_741 : memref<8x1024xf32, #tpu.memory_space<hbm>>)
      %lt3A_742 = arith.constant 7 : i32
      %lt3A_743 = arith.cmpi slt, %scan3A_90, %lt3A_742 : i32
      %convert_element_type3A_744 = arith.extui %lt3A_743 : i1 to i32
      %cond3A_745 = arith.constant 0 : i32
      %cond3A_746 = arith.cmpi ne, %convert_element_type3A_744, %cond3A_745 : i32
      scf.if %cond3A_746 {
        %jit3A_848 = arith.constant 4 : i32
        %div3A_849 = arith.divsi %add3A_707, %jit3A_848 : i32
        %sign3A_850 = arith.constant 0 : i32
        %sign3A_851 = arith.cmpi sgt, %add3A_707, %sign3A_850 : i32
        %sign3A_852 = arith.extui %sign3A_851 : i1 to i32
        %sign3A_853 = arith.constant 0 : i32
        %sign3A_854 = arith.cmpi slt, %add3A_707, %sign3A_853 : i32
        %sign3A_855 = arith.extui %sign3A_854 : i1 to i32
        %sign3A_856 = arith.subi %sign3A_852, %sign3A_855 : i32
        %sign3A_857 = arith.constant 0 : i32
        %sign3A_858 = arith.cmpi sgt, %jit3A_848, %sign3A_857 : i32
        %sign3A_859 = arith.extui %sign3A_858 : i1 to i32
        %sign3A_860 = arith.constant 0 : i32
        %sign3A_861 = arith.cmpi slt, %jit3A_848, %sign3A_860 : i32
        %sign3A_862 = arith.extui %sign3A_861 : i1 to i32
        %sign3A_863 = arith.subi %sign3A_859, %sign3A_862 : i32
        %ne3A_864 = arith.cmpi ne, %sign3A_856, %sign3A_863 : i32
        %rem3A_865 = arith.remsi %add3A_707, %jit3A_848 : i32
        %ne3A_866 = arith.constant 0 : i32
        %ne3A_867 = arith.cmpi ne, %rem3A_865, %ne3A_866 : i32
        %and3A_868 = arith.andi %ne3A_864, %ne3A_867 : i1
        %sub3A_869 = arith.constant 1 : i32
        %sub3A_870 = arith.subi %div3A_849, %sub3A_869 : i32
        %select_n3A_871 = arith.select %and3A_868, %sub3A_870, %div3A_849 : i32
        %mul3A_872 = arith.constant 8 : i32
        %mul3A_873 = arith.muli %select_n3A_871, %mul3A_872 : i32
        %add3A_874 = arith.addi %mul3A_2, %mul3A_873 : i32
        %dma_start3A_875 = arith.constant 2 : i32
        %dma_start3A_876 = arith.constant 0 : i32
        %dma_start3A_877 = tpu.memref_slice %arg2[%dma_start3A_875, %add3A_874, %dma_start3A_876] : memref<4x4096x1024xf32, #tpu.memory_space<hbm>> -> memref<1x8x1024xf32, #tpu.memory_space<hbm>>
        %dma_start3A_878 = tpu.memref_squeeze %dma_start3A_877 : memref<1x8x1024xf32, #tpu.memory_space<hbm>> -> memref<8x1024xf32, #tpu.memory_space<hbm>>
        %dma_start3A_879 = arith.constant 0 : i32
        %dma_start3A_880 = tpu.memref_slice %arg2[%dma_start3A_875, %add3A_874, %dma_start3A_879] : memref<4x4096x1024xf32, #tpu.memory_space<hbm>> -> memref<1x8x1024xf32, #tpu.memory_space<hbm>>
        %dma_start3A_881 = tpu.memref_squeeze %dma_start3A_880 : memref<1x8x1024xf32, #tpu.memory_space<hbm>> -> memref<8x1024xf32, #tpu.memory_space<hbm>>
        tpu.enqueue_dma source(%dma_start3A_881 : memref<8x1024xf32, #tpu.memory_space<hbm>>) target(%arg7 : memref<8x1024xf32, #tpu.memory_space<vmem>>) target_semaphore(%arg17 : memref<!tpu.dma_semaphore, #tpu.memory_space<semaphore_mem>>)
      } else {
      }
      %add3A_747 = arith.constant 7 : i32
      %add3A_748 = arith.addi %mul3A_92, %add3A_747 : i32
      %jit3A_749 = arith.constant 4 : i32
      %div3A_750 = arith.divsi %add3A_748, %jit3A_749 : i32
      %sign3A_751 = arith.constant 0 : i32
      %sign3A_752 = arith.cmpi sgt, %add3A_748, %sign3A_751 : i32
      %sign3A_753 = arith.extui %sign3A_752 : i1 to i32
      %sign3A_754 = arith.constant 0 : i32
      %sign3A_755 = arith.cmpi slt, %add3A_748, %sign3A_754 : i32
      %sign3A_756 = arith.extui %sign3A_755 : i1 to i32
      %sign3A_757 = arith.subi %sign3A_753, %sign3A_756 : i32
      %sign3A_758 = arith.constant 0 : i32
      %sign3A_759 = arith.cmpi sgt, %jit3A_749, %sign3A_758 : i32
      %sign3A_760 = arith.extui %sign3A_759 : i1 to i32
      %sign3A_761 = arith.constant 0 : i32
      %sign3A_762 = arith.cmpi slt, %jit3A_749, %sign3A_761 : i32
      %sign3A_763 = arith.extui %sign3A_762 : i1 to i32
      %sign3A_764 = arith.subi %sign3A_760, %sign3A_763 : i32
      %ne3A_765 = arith.cmpi ne, %sign3A_757, %sign3A_764 : i32
      %rem3A_766 = arith.remsi %add3A_748, %jit3A_749 : i32
      %ne3A_767 = arith.constant 0 : i32
      %ne3A_768 = arith.cmpi ne, %rem3A_766, %ne3A_767 : i32
      %and3A_769 = arith.andi %ne3A_765, %ne3A_768 : i1
      %sub3A_770 = arith.constant 1 : i32
      %sub3A_771 = arith.subi %div3A_750, %sub3A_770 : i32
      %select_n3A_772 = arith.select %and3A_769, %sub3A_771, %div3A_750 : i32
      %mul3A_773 = arith.constant 8 : i32
      %mul3A_774 = arith.muli %select_n3A_772, %mul3A_773 : i32
      %add3A_775 = arith.addi %mul3A_2, %mul3A_774 : i32
      %dma_wait3A_776 = arith.constant 3 : i32
      %dma_wait3A_777 = arith.constant 0 : i32
      %dma_wait3A_778 = tpu.memref_slice %arg2[%dma_wait3A_776, %add3A_775, %dma_wait3A_777] : memref<4x4096x1024xf32, #tpu.memory_space<hbm>> -> memref<1x8x1024xf32, #tpu.memory_space<hbm>>
      %dma_wait3A_779 = tpu.memref_squeeze %dma_wait3A_778 : memref<1x8x1024xf32, #tpu.memory_space<hbm>> -> memref<8x1024xf32, #tpu.memory_space<hbm>>
      %dma_wait3A_780 = arith.constant 0 : i32
      %dma_wait3A_781 = tpu.memref_slice %arg2[%dma_wait3A_776, %add3A_775, %dma_wait3A_780] : memref<4x4096x1024xf32, #tpu.memory_space<hbm>> -> memref<1x8x1024xf32, #tpu.memory_space<hbm>>
      %dma_wait3A_782 = tpu.memref_squeeze %dma_wait3A_781 : memref<1x8x1024xf32, #tpu.memory_space<hbm>> -> memref<8x1024xf32, #tpu.memory_space<hbm>>
      tpu.wait_dma2 semaphore(%arg22 : memref<!tpu.dma_semaphore, #tpu.memory_space<semaphore_mem>>) src(%dma_wait3A_782 : memref<8x1024xf32, #tpu.memory_space<hbm>>) dst(%arg12 : memref<8x1024xf32, #tpu.memory_space<vmem>>)
      %parallel_loop3A_783 = arith.constant 0 : i32
      %parallel_loop3A_784 = arith.constant 8192 : i32
      %parallel_loop3A_785 = arith.constant 16 : i32
      scf.for %parallel_loop3A_848 = %parallel_loop3A_783 to %parallel_loop3A_784 step %parallel_loop3A_785  : i32 {
        %parallel_loop3A_849 = arith.constant 10 : i32
        %parallel_loop3A_850 = arith.shrui %parallel_loop3A_848, %parallel_loop3A_849 : i32
        %parallel_loop3A_851 = arith.constant 1023 : i32
        %parallel_loop3A_852 = arith.andi %parallel_loop3A_848, %parallel_loop3A_851 : i32
        %parallel_loop3A_853 = tpu.assume_multiple %parallel_loop3A_852, 16 : i32
        %parallel_loop3A_854 = arith.index_cast %parallel_loop3A_850 : i32 to index
        %parallel_loop3A_855 = arith.index_cast %parallel_loop3A_853 : i32 to index
        %parallel_loop3A_856 = tpu.vector_load %arg14[%parallel_loop3A_854, %parallel_loop3A_855] {strides = array<i32>} : memref<8x1024xf32, #tpu.memory_space<vmem>>, vector<1x16xf32>,
        %parallel_loop3A_857 = vector.shape_cast %parallel_loop3A_856 : vector<1x16xf32> to vector<16xf32>
        %parallel_loop3A_858 = arith.index_cast %parallel_loop3A_850 : i32 to index
        %parallel_loop3A_859 = arith.index_cast %parallel_loop3A_853 : i32 to index
        %parallel_loop3A_860 = tpu.vector_load %arg12[%parallel_loop3A_858, %parallel_loop3A_859] {strides = array<i32>} : memref<8x1024xf32, #tpu.memory_space<vmem>>, vector<1x16xf32>,
        %parallel_loop3A_861 = vector.shape_cast %parallel_loop3A_860 : vector<1x16xf32> to vector<16xf32>
        %parallel_loop3A_862 = vector.shape_cast %parallel_loop3A_857 : vector<16xf32> to vector<1x16xf32>
        tpu.vector_store %arg12[%parallel_loop3A_858, %parallel_loop3A_859], %parallel_loop3A_862 {add = true, strides = array<i32>} : memref<8x1024xf32, #tpu.memory_space<vmem>>, vector<1x16xf32>,
      } {sc.loop_unroll_factor = 8 : i64, sc.parallel_access}
      %mul3A_786 = arith.constant 8 : i32
      %mul3A_787 = arith.muli %select_n3A_772, %mul3A_786 : i32
      %add3A_788 = arith.addi %mul3A_2, %mul3A_787 : i32
      %dma_start3A_789 = arith.constant 3 : i32
      %dma_start3A_790 = arith.constant 0 : i32
      %dma_start3A_791 = tpu.memref_slice %arg4[%dma_start3A_789, %add3A_788, %dma_start3A_790] : memref<4x4096x1024xf32, #tpu.memory_space<hbm>> -> memref<1x8x1024xf32, #tpu.memory_space<hbm>>
      %dma_start3A_792 = tpu.memref_squeeze %dma_start3A_791 : memref<1x8x1024xf32, #tpu.memory_space<hbm>> -> memref<8x1024xf32, #tpu.memory_space<hbm>>
      %dma_start3A_793 = arith.constant 0 : i32
      %dma_start3A_794 = tpu.memref_slice %arg4[%dma_start3A_789, %add3A_788, %dma_start3A_793] : memref<4x4096x1024xf32, #tpu.memory_space<hbm>> -> memref<1x8x1024xf32, #tpu.memory_space<hbm>>
      %dma_start3A_795 = tpu.memref_squeeze %dma_start3A_794 : memref<1x8x1024xf32, #tpu.memory_space<hbm>> -> memref<8x1024xf32, #tpu.memory_space<hbm>>
      tpu.enqueue_dma source(%arg12 : memref<8x1024xf32, #tpu.memory_space<vmem>>) target(%dma_start3A_795 : memref<8x1024xf32, #tpu.memory_space<hbm>>) target_semaphore(%arg30 : memref<!tpu.dma_semaphore, #tpu.memory_space<semaphore_mem>>)
      %sub3A_796 = arith.constant 4 : i32
      %sub3A_797 = arith.subi %add3A_748, %sub3A_796 : i32
      %add3A_798 = arith.constant 4 : i32
      %add3A_799 = arith.addi %add3A_748, %add3A_798 : i32
      %jit3A_800 = arith.constant 4 : i32
      %div3A_801 = arith.divsi %sub3A_797, %jit3A_800 : i32
      %sign3A_802 = arith.constant 0 : i32
      %sign3A_803 = arith.cmpi sgt, %sub3A_797, %sign3A_802 : i32
      %sign3A_804 = arith.extui %sign3A_803 : i1 to i32
      %sign3A_805 = arith.constant 0 : i32
      %sign3A_806 = arith.cmpi slt, %sub3A_797, %sign3A_805 : i32
      %sign3A_807 = arith.extui %sign3A_806 : i1 to i32
      %sign3A_808 = arith.subi %sign3A_804, %sign3A_807 : i32
      %sign3A_809 = arith.constant 0 : i32
      %sign3A_810 = arith.cmpi sgt, %jit3A_800, %sign3A_809 : i32
      %sign3A_811 = arith.extui %sign3A_810 : i1 to i32
      %sign3A_812 = arith.constant 0 : i32
      %sign3A_813 = arith.cmpi slt, %jit3A_800, %sign3A_812 : i32
      %sign3A_814 = arith.extui %sign3A_813 : i1 to i32
      %sign3A_815 = arith.subi %sign3A_811, %sign3A_814 : i32
      %ne3A_816 = arith.cmpi ne, %sign3A_808, %sign3A_815 : i32
      %rem3A_817 = arith.remsi %sub3A_797, %jit3A_800 : i32
      %ne3A_818 = arith.constant 0 : i32
      %ne3A_819 = arith.cmpi ne, %rem3A_817, %ne3A_818 : i32
      %and3A_820 = arith.andi %ne3A_816, %ne3A_819 : i1
      %sub3A_821 = arith.constant 1 : i32
      %sub3A_822 = arith.subi %div3A_801, %sub3A_821 : i32
      %select_n3A_823 = arith.select %and3A_820, %sub3A_822, %div3A_801 : i32
      %mul3A_824 = arith.constant 8 : i32
      %mul3A_825 = arith.muli %select_n3A_823, %mul3A_824 : i32
      %add3A_826 = arith.addi %mul3A_2, %mul3A_825 : i32
      %dma_wait3A_827 = arith.constant 3 : i32
      %dma_wait3A_828 = arith.constant 0 : i32
      %dma_wait3A_829 = tpu.memref_slice %arg4[%dma_wait3A_827, %add3A_826, %dma_wait3A_828] : memref<4x4096x1024xf32, #tpu.memory_space<hbm>> -> memref<1x8x1024xf32, #tpu.memory_space<hbm>>
      %dma_wait3A_830 = tpu.memref_squeeze %dma_wait3A_829 : memref<1x8x1024xf32, #tpu.memory_space<hbm>> -> memref<8x1024xf32, #tpu.memory_space<hbm>>
      %dma_wait3A_831 = arith.constant 0 : i32
      %dma_wait3A_832 = tpu.memref_slice %arg4[%dma_wait3A_827, %add3A_826, %dma_wait3A_831] : memref<4x4096x1024xf32, #tpu.memory_space<hbm>> -> memref<1x8x1024xf32, #tpu.memory_space<hbm>>
      %dma_wait3A_833 = tpu.memref_squeeze %dma_wait3A_832 : memref<1x8x1024xf32, #tpu.memory_space<hbm>> -> memref<8x1024xf32, #tpu.memory_space<hbm>>
      tpu.wait_dma2 semaphore(%arg26 : memref<!tpu.dma_semaphore, #tpu.memory_space<semaphore_mem>>) src(%arg8 : memref<8x1024xf32, #tpu.memory_space<vmem>>) dst(%dma_wait3A_833 : memref<8x1024xf32, #tpu.memory_space<hbm>>)
      %lt3A_834 = arith.constant 7 : i32
      %lt3A_835 = arith.cmpi slt, %scan3A_90, %lt3A_834 : i32
      %convert_element_type3A_836 = arith.extui %lt3A_835 : i1 to i32
      %cond3A_837 = arith.constant 0 : i32
      %cond3A_838 = arith.cmpi ne, %convert_element_type3A_836, %cond3A_837 : i32
      scf.if %cond3A_838 {
        %jit3A_848 = arith.constant 4 : i32
        %div3A_849 = arith.divsi %add3A_799, %jit3A_848 : i32
        %sign3A_850 = arith.constant 0 : i32
        %sign3A_851 = arith.cmpi sgt, %add3A_799, %sign3A_850 : i32
        %sign3A_852 = arith.extui %sign3A_851 : i1 to i32
        %sign3A_853 = arith.constant 0 : i32
        %sign3A_854 = arith.cmpi slt, %add3A_799, %sign3A_853 : i32
        %sign3A_855 = arith.extui %sign3A_854 : i1 to i32
        %sign3A_856 = arith.subi %sign3A_852, %sign3A_855 : i32
        %sign3A_857 = arith.constant 0 : i32
        %sign3A_858 = arith.cmpi sgt, %jit3A_848, %sign3A_857 : i32
        %sign3A_859 = arith.extui %sign3A_858 : i1 to i32
        %sign3A_860 = arith.constant 0 : i32
        %sign3A_861 = arith.cmpi slt, %jit3A_848, %sign3A_860 : i32
        %sign3A_862 = arith.extui %sign3A_861 : i1 to i32
        %sign3A_863 = arith.subi %sign3A_859, %sign3A_862 : i32
        %ne3A_864 = arith.cmpi ne, %sign3A_856, %sign3A_863 : i32
        %rem3A_865 = arith.remsi %add3A_799, %jit3A_848 : i32
        %ne3A_866 = arith.constant 0 : i32
        %ne3A_867 = arith.cmpi ne, %rem3A_865, %ne3A_866 : i32
        %and3A_868 = arith.andi %ne3A_864, %ne3A_867 : i1
        %sub3A_869 = arith.constant 1 : i32
        %sub3A_870 = arith.subi %div3A_849, %sub3A_869 : i32
        %select_n3A_871 = arith.select %and3A_868, %sub3A_870, %div3A_849 : i32
        %mul3A_872 = arith.constant 8 : i32
        %mul3A_873 = arith.muli %select_n3A_871, %mul3A_872 : i32
        %add3A_874 = arith.addi %mul3A_2, %mul3A_873 : i32
        %dma_start3A_875 = arith.constant 3 : i32
        %dma_start3A_876 = arith.constant 0 : i32
        %dma_start3A_877 = tpu.memref_slice %arg2[%dma_start3A_875, %add3A_874, %dma_start3A_876] : memref<4x4096x1024xf32, #tpu.memory_space<hbm>> -> memref<1x8x1024xf32, #tpu.memory_space<hbm>>
        %dma_start3A_878 = tpu.memref_squeeze %dma_start3A_877 : memref<1x8x1024xf32, #tpu.memory_space<hbm>> -> memref<8x1024xf32, #tpu.memory_space<hbm>>
        %dma_start3A_879 = arith.constant 0 : i32
        %dma_start3A_880 = tpu.memref_slice %arg2[%dma_start3A_875, %add3A_874, %dma_start3A_879] : memref<4x4096x1024xf32, #tpu.memory_space<hbm>> -> memref<1x8x1024xf32, #tpu.memory_space<hbm>>
        %dma_start3A_881 = tpu.memref_squeeze %dma_start3A_880 : memref<1x8x1024xf32, #tpu.memory_space<hbm>> -> memref<8x1024xf32, #tpu.memory_space<hbm>>
        tpu.enqueue_dma source(%dma_start3A_881 : memref<8x1024xf32, #tpu.memory_space<hbm>>) target(%arg8 : memref<8x1024xf32, #tpu.memory_space<vmem>>) target_semaphore(%arg18 : memref<!tpu.dma_semaphore, #tpu.memory_space<semaphore_mem>>)
      } else {
      }
      %mul3A_839 = arith.constant 2 : i32
      %mul3A_840 = arith.muli %scan3A_90, %mul3A_839 : i32
      %add3A_841 = arith.constant 3 : i32
      %add3A_842 = arith.addi %mul3A_840, %add3A_841 : i32
      %lt3A_843 = arith.constant 16 : i32
      %lt3A_844 = arith.cmpi slt, %add3A_842, %lt3A_843 : i32
      %convert_element_type3A_845 = arith.extui %lt3A_844 : i1 to i32
      %cond3A_846 = arith.constant 0 : i32
      %cond3A_847 = arith.cmpi ne, %convert_element_type3A_845, %cond3A_846 : i32
      scf.if %cond3A_847 {
        %mul3A_848 = arith.constant 2 : i32
        %mul3A_849 = arith.muli %scan3A_90, %mul3A_848 : i32
        %add3A_850 = arith.constant 3 : i32
        %add3A_851 = arith.addi %mul3A_849, %add3A_850 : i32
        %mul3A_852 = arith.constant 8 : i32
        %mul3A_853 = arith.muli %add3A_851, %mul3A_852 : i32
        %add3A_854 = arith.addi %mul3A_2, %mul3A_853 : i32
        %dma_start3A_855 = arith.constant 0 : i32
        %dma_start3A_856 = tpu.memref_slice %arg3[%add3A_854, %dma_start3A_855] : memref<8192x1024xf32, #tpu.memory_space<hbm>> -> memref<8x1024xf32, #tpu.memory_space<hbm>>
        %dma_start3A_857 = arith.constant 0 : i32
        %dma_start3A_858 = tpu.memref_slice %arg3[%add3A_854, %dma_start3A_857] : memref<8192x1024xf32, #tpu.memory_space<hbm>> -> memref<8x1024xf32, #tpu.memory_space<hbm>>
        tpu.enqueue_dma source(%dma_start3A_858 : memref<8x1024xf32, #tpu.memory_space<hbm>>) target(%arg14 : memref<8x1024xf32, #tpu.memory_space<vmem>>) target_semaphore(%arg32 : memref<!tpu.dma_semaphore, #tpu.memory_space<semaphore_mem>>)
      } else {
      }
    }
    %scan3A_54 = arith.constant 8 : i32
    %add3A_55 = arith.constant 120 : i32
    %add3A_56 = arith.addi %mul3A_2, %add3A_55 : i32
    %dma_wait3A = arith.constant 0 : i32
    %dma_wait3A_57 = arith.constant 0 : i32
    %dma_wait3A_58 = tpu.memref_slice %arg4[%dma_wait3A, %add3A_56, %dma_wait3A_57] : memref<4x4096x1024xf32, #tpu.memory_space<hbm>> -> memref<1x8x1024xf32, #tpu.memory_space<hbm>>
    %dma_wait3A_59 = tpu.memref_squeeze %dma_wait3A_58 : memref<1x8x1024xf32, #tpu.memory_space<hbm>> -> memref<8x1024xf32, #tpu.memory_space<hbm>>
    %dma_wait3A_60 = arith.constant 0 : i32
    %dma_wait3A_61 = tpu.memref_slice %arg4[%dma_wait3A, %add3A_56, %dma_wait3A_60] : memref<4x4096x1024xf32, #tpu.memory_space<hbm>> -> memref<1x8x1024xf32, #tpu.memory_space<hbm>>
    %dma_wait3A_62 = tpu.memref_squeeze %dma_wait3A_61 : memref<1x8x1024xf32, #tpu.memory_space<hbm>> -> memref<8x1024xf32, #tpu.memory_space<hbm>>
    tpu.wait_dma2 semaphore(%arg27 : memref<!tpu.dma_semaphore, #tpu.memory_space<semaphore_mem>>) src(%arg9 : memref<8x1024xf32, #tpu.memory_space<vmem>>) dst(%dma_wait3A_62 : memref<8x1024xf32, #tpu.memory_space<hbm>>)
    %add3A_63 = arith.constant 120 : i32
    %add3A_64 = arith.addi %mul3A_2, %add3A_63 : i32
    %dma_wait3A_65 = arith.constant 1 : i32
    %dma_wait3A_66 = arith.constant 0 : i32
    %dma_wait3A_67 = tpu.memref_slice %arg4[%dma_wait3A_65, %add3A_64, %dma_wait3A_66] : memref<4x4096x1024xf32, #tpu.memory_space<hbm>> -> memref<1x8x1024xf32, #tpu.memory_space<hbm>>
    %dma_wait3A_68 = tpu.memref_squeeze %dma_wait3A_67 : memref<1x8x1024xf32, #tpu.memory_space<hbm>> -> memref<8x1024xf32, #tpu.memory_space<hbm>>
    %dma_wait3A_69 = arith.constant 0 : i32
    %dma_wait3A_70 = tpu.memref_slice %arg4[%dma_wait3A_65, %add3A_64, %dma_wait3A_69] : memref<4x4096x1024xf32, #tpu.memory_space<hbm>> -> memref<1x8x1024xf32, #tpu.memory_space<hbm>>
    %dma_wait3A_71 = tpu.memref_squeeze %dma_wait3A_70 : memref<1x8x1024xf32, #tpu.memory_space<hbm>> -> memref<8x1024xf32, #tpu.memory_space<hbm>>
    tpu.wait_dma2 semaphore(%arg28 : memref<!tpu.dma_semaphore, #tpu.memory_space<semaphore_mem>>) src(%arg10 : memref<8x1024xf32, #tpu.memory_space<vmem>>) dst(%dma_wait3A_71 : memref<8x1024xf32, #tpu.memory_space<hbm>>)
    %add3A_72 = arith.constant 120 : i32
    %add3A_73 = arith.addi %mul3A_2, %add3A_72 : i32
    %dma_wait3A_74 = arith.constant 2 : i32
    %dma_wait3A_75 = arith.constant 0 : i32
    %dma_wait3A_76 = tpu.memref_slice %arg4[%dma_wait3A_74, %add3A_73, %dma_wait3A_75] : memref<4x4096x1024xf32, #tpu.memory_space<hbm>> -> memref<1x8x1024xf32, #tpu.memory_space<hbm>>
    %dma_wait3A_77 = tpu.memref_squeeze %dma_wait3A_76 : memref<1x8x1024xf32, #tpu.memory_space<hbm>> -> memref<8x1024xf32, #tpu.memory_space<hbm>>
    %dma_wait3A_78 = arith.constant 0 : i32
    %dma_wait3A_79 = tpu.memref_slice %arg4[%dma_wait3A_74, %add3A_73, %dma_wait3A_78] : memref<4x4096x1024xf32, #tpu.memory_space<hbm>> -> memref<1x8x1024xf32, #tpu.memory_space<hbm>>
    %dma_wait3A_80 = tpu.memref_squeeze %dma_wait3A_79 : memref<1x8x1024xf32, #tpu.memory_space<hbm>> -> memref<8x1024xf32, #tpu.memory_space<hbm>>
    tpu.wait_dma2 semaphore(%arg29 : memref<!tpu.dma_semaphore, #tpu.memory_space<semaphore_mem>>) src(%arg11 : memref<8x1024xf32, #tpu.memory_space<vmem>>) dst(%dma_wait3A_80 : memref<8x1024xf32, #tpu.memory_space<hbm>>)
    %add3A_81 = arith.constant 120 : i32
    %add3A_82 = arith.addi %mul3A_2, %add3A_81 : i32
    %dma_wait3A_83 = arith.constant 3 : i32
    %dma_wait3A_84 = arith.constant 0 : i32
    %dma_wait3A_85 = tpu.memref_slice %arg4[%dma_wait3A_83, %add3A_82, %dma_wait3A_84] : memref<4x4096x1024xf32, #tpu.memory_space<hbm>> -> memref<1x8x1024xf32, #tpu.memory_space<hbm>>
    %dma_wait3A_86 = tpu.memref_squeeze %dma_wait3A_85 : memref<1x8x1024xf32, #tpu.memory_space<hbm>> -> memref<8x1024xf32, #tpu.memory_space<hbm>>
    %dma_wait3A_87 = arith.constant 0 : i32
    %dma_wait3A_88 = tpu.memref_slice %arg4[%dma_wait3A_83, %add3A_82, %dma_wait3A_87] : memref<4x4096x1024xf32, #tpu.memory_space<hbm>> -> memref<1x8x1024xf32, #tpu.memory_space<hbm>>
    %dma_wait3A_89 = tpu.memref_squeeze %dma_wait3A_88 : memref<1x8x1024xf32, #tpu.memory_space<hbm>> -> memref<8x1024xf32, #tpu.memory_space<hbm>>
    tpu.wait_dma2 semaphore(%arg30 : memref<!tpu.dma_semaphore, #tpu.memory_space<semaphore_mem>>) src(%arg12 : memref<8x1024xf32, #tpu.memory_space<vmem>>) dst(%dma_wait3A_89 : memref<8x1024xf32, #tpu.memory_space<hbm>>)
    return
  }
}

</mosaic_0001>

<sc_bundles>
// kernel: kernel.3.cloned.1.call-start
scs
__scs_entry_jumppad:
0x0: {  	(pc) =	sbr.rel $0x88, $3  }
0x1: {  	(tag) =	ssettag $0x0;
	lr =	simm.s32 $0x1  }
0x2: {  	[smem:$0x3F9F] =	sst lr;
	_ =	strace $0xD0000000  }
0x3: {  	_ = 	snop  }
0x4: {  	_ = 	snop  }
0x5: {  	_ = 	snop  }
0x6: {  	_ = 	snop  }
0x7: {  	_ = 	snop  }
__scs_overlays_trampoline_lowered:
0x8: {  	[smem:$0x3FAE] =	sst s0  }
0x9: {  	[smem:$0x3FAF] =	sst s1  }
0xa: {  	[smem:$0x3FB0] =	sst s2  }
0xb: {  	[smem:$0x3FB1] =	sst s3  }
0xc: {  	[smem:$0x3FB2] =	sst s4  }
0xd: {  	[smem:$0x3FB3] =	sst s5  }
0xe: {  	[smem:$0x3FB4] =	sst s6  }
0xf: {  	[smem:$0x3FB5] =	sst s7  }
0x10: {  	[smem:$0x3FB6] =	sst s8  }
0x11: {  	[smem:$0x3FB7] =	sst s9;
	s0 =	simm.s32 @!p0 $0x0  }
0x12: {  	s1 =	sld [smem:$0x3F9D];
	s0 =	simm.s32 @p0 $0x1  }
0x13: {  	[smem:$0x3FB8] =	sst s0;
	s0 =	simm.s32 @!p1 $0x0  }
0x14: {  	s2 =	sld [smem:$0x3F9C];
	s0 =	simm.s32 @p1 $0x1  }
0x15: {  	[smem:$0x3FB9] =	sst s0;
	s0 =	simm.s32 @!p2 $0x0  }
0x16: {  	s3 =	sld [smem:$0x3FDB];
	s0 =	simm.s32 @p2 $0x1  }
0x17: {  	s4 =	simm.s32 $0x1BF5;
	[smem:$0x3FBB] =	sst s0  }
0x18: {  	s0 =	sld [smem:$0x3F9E];
	_ =	swait.ge [sflag:s4], $0x0  }
0x19: {  	s7 =	sld [smem:$0x3F9F]  }
0x1a: {  	s8 =	sadd.s32 $0xFFFFE003, lr  }
0x1b: {  	s9 =	sadd.s32 $0xFFFFFEF7, lr;
	s5 =	simm.s32 $0xFFFFFFFF;
	p2 =	slt.u32 s8, $0xFFFFF086  }
0x1c: {  	p1 =	slt.u32 s9, $0xF7A;
	s5 =	simm.s32 @!p2 $0x0  }
0x1d: {  	s5 =	simm.s32 @p1 $0x1;
	p0 =	seq.s32 s7, s2  }
0x1e: {  	s7 =	smul.u32 @!p0 $0xF7A, s2;
	p2 =	seq.s32 @!p0 s5, $0x0  }
0x1f: {  	s9 =	smul.u32 $0xF7A, s1;
	s8 =	simm.s32 @!p0 $0x1BF5;
	p2 =	por !p2, p0  }
0x20: {  	[sflag:s8] =	ssyncset.s32 @!p0 $0xFFFFF086;
	s6 =	sadd.s32 @!p0 s3, s7;
	s7 =	simm.s32 @!p0 $0x108  }
0x21: {  	s3 =	sadd.s32 s3, s9;
	s6 =	sadd.s32 @!p0 $0x88, s6;
	s7 =	simm.s32 @p2 $0x1082  }
0x22: {  	[simem:s7], [sflag:s8] =	dma.local @!p0 [hbm:s6], $0xF7A  }
0x23: {  	s9 =	sor.u32 $0xD0000000, s2;
	s6 =	simm.s32 $0x108;
	_ =	swait.ge @!p0 [sflag:s8], $0x0  }
0x24: {  	s3 =	sadd.s32 $0x88, s3;
	s6 =	simm.s32 @!p1 $0x1082;
	[sflag:s4] =	ssyncset.s32 $0xFFFFF086  }
0x25: {  	[simem:s6], [sflag:s4] =	dma.local [hbm:s3], $0xF7A  }
0x26: {  	[smem:$0x3F9F] =	sst s1;
	(tag) =	ssettag s2;
	_ =	strace s9  }
0x27: {  	s1 =	sld [smem:$0x3FAF]  }
0x28: {  	s2 =	sld [smem:$0x3FB0]  }
0x29: {  	s4 =	sld [smem:$0x3FB2]  }
0x2a: {  	p0 =	seq.s32 s5, $0x0;
	s5 =	sld [smem:$0x3FB3]  }
0x2b: {  	s6 =	sld [smem:$0x3FB4]  }
0x2c: {  	s7 =	sld [smem:$0x3FB5]  }
0x2d: {  	s3 =	simm.s32 $0x108;
	s8 =	sld [smem:$0x3FB6]  }
0x2e: {  	s3 =	simm.s32 @!p0 $0x1082;
	s9 =	sld [smem:$0x3FB7]  }
0x2f: {  	lr =	sadd.s32 s0, s3;
	s0 =	sld [smem:$0x3FAE]  }
0x30: {  	s3 =	sld [smem:$0x3FB1]  }
0x31: {  	[smem:$0x3FBA] =	sst s10  }
0x32: {  	s10 =	sld [smem:$0x3FB8];
	_ =	sdelay $0x3  }
0x33: {  	p0 =	seq.s32 s10, $0x1;
	s10 =	sld [smem:$0x3FBA];
	_ =	sdelay $0x3  }
0x34: {  	[smem:$0x3FBA] =	sst s10  }
0x35: {  	s10 =	sld [smem:$0x3FB9];
	_ =	sdelay $0x3  }
0x36: {  	p1 =	seq.s32 s10, $0x1;
	s10 =	sld [smem:$0x3FBA];
	_ =	sdelay $0x3  }
0x37: {  	[smem:$0x3FBA] =	sst s10  }
0x38: {  	s10 =	sld [smem:$0x3FBB]  }
0x39: {  	_ = 	snop;
	(pc) =	sbr.ind lr, $3  }
0x3a: {  	_ = 	snop  }
0x3b: {  	_ = 	snop  }
0x3c: {  	p2 =	seq.s32 s10, $0x1;
	s10 =	sld [smem:$0x3FBA]  }
0x3d: {  	_ =	shalt  }
0x3e: {  	_ =	shalt  }
0x3f: {  	_ =	shalt  }
0x40: {  	_ =	shalt  }
0x41: {  	_ =	shalt  }
0x42: {  	_ =	shalt  }
0x43: {  	_ =	shalt  }
0x44: {  	_ =	shalt  }
0x45: {  	_ =	shalt  }
0x46: {  	_ =	shalt  }
0x47: {  	_ =	shalt  }
0x48: {  	_ =	shalt  }
0x49: {  	_ =	shalt  }
0x4a: {  	_ =	shalt  }
0x4b: {  	_ =	shalt  }
0x4c: {  	_ =	shalt  }
0x4d: {  	_ =	shalt  }
0x4e: {  	_ =	shalt  }
0x4f: {  	_ =	shalt  }
0x50: {  	_ =	shalt  }
0x51: {  	_ =	shalt  }
0x52: {  	_ =	shalt  }
0x53: {  	_ =	shalt  }
0x54: {  	_ =	shalt  }
0x55: {  	_ =	shalt  }
0x56: {  	_ =	shalt  }
0x57: {  	_ =	shalt  }
0x58: {  	_ =	shalt  }
0x59: {  	_ =	shalt  }
0x5a: {  	_ =	shalt  }
0x5b: {  	_ =	shalt  }
0x5c: {  	_ =	shalt  }
0x5d: {  	_ =	shalt  }
0x5e: {  	_ =	shalt  }
0x5f: {  	_ =	shalt  }
0x60: {  	_ =	shalt  }
0x61: {  	_ =	shalt  }
0x62: {  	_ =	shalt  }
0x63: {  	_ =	shalt  }
0x64: {  	_ =	shalt  }
0x65: {  	_ =	shalt  }
0x66: {  	_ =	shalt  }
0x67: {  	_ =	shalt  }
0x68: {  	_ =	shalt  }
0x69: {  	_ =	shalt  }
0x6a: {  	_ =	shalt  }
0x6b: {  	_ =	shalt  }
0x6c: {  	_ =	shalt  }
0x6d: {  	_ =	shalt  }
0x6e: {  	_ =	shalt  }
0x6f: {  	_ =	shalt  }
0x70: {  	_ =	shalt  }
0x71: {  	_ =	shalt  }
0x72: {  	_ =	shalt  }
0x73: {  	_ =	shalt  }
0x74: {  	_ =	shalt  }
0x75: {  	_ =	shalt  }
0x76: {  	_ =	shalt  }
0x77: {  	_ =	shalt  }
0x78: {  	_ =	shalt  }
0x79: {  	_ =	shalt  }
0x7a: {  	_ =	shalt  }
0x7b: {  	_ =	shalt  }
0x7c: {  	_ =	shalt  }
0x7d: {  	_ =	shalt  }
0x7e: {  	_ =	shalt  }
0x7f: {  	_ =	shalt  }
0x80: {  	_ =	shalt  }
0x81: {  	_ =	shalt  }
0x82: {  	_ =	shalt  }
0x83: {  	_ =	shalt  }
0x84: {  	_ =	shalt  }
0x85: {  	_ =	shalt  }
0x86: {  	_ =	shalt  }
0x87: {  	_ =	shalt  }
.Lfunc_end0:
.L_simem_size_0:
called_computation_lowered:
.L_overlay_start_0:
0x88: {  	s2 =	sld [smem:$0x3FD9]  }
0x89: {  	s3 =	sld [smem:$0x3FFE];
	_ =	sdelay $0x1  }
0x8a: {  	s1 =	srdreg.scid  }
0x8b: {  	s0 =	sand.u32 $0x1, s1  }
0x8c: {  	s18 =	sshll.u32 s0, $0xA;
	s2 =	sadd.s32 s3, s2  }
0x8d: {  	s2 =	sadd.s32 s2, s18  }
0x8e: {  	[smem:$0x3FC6] =	sst s2  }
0x8f: {  	_ = 	snop  }
0x90: {  	s2 =	sld [smem:$0x3FC9]  }
0x91: {  	s19 =	sld [smem:$0x3FC8]  }
0x92: {  	s4 =	sld [smem:$0x3FD0];
	(tm) =	ssettm $0x1  }
0x93: {  	s5 =	sld [smem:$0x3FFB];
	_ =	sdelay $0x3  }
0x94: {  	_ =	strace s5  }
0x95: {  	s5 =	sld [smem:$0x3FFC];
	_ =	sdelay $0x3  }
0x96: {  	_ =	strace s5  }
0x97: {  	s5 =	sld [smem:$0x3FFD];
	_ =	sdelay $0x3  }
0x98: {  	_ =	strace s5  }
0x99: {  	_ =	strace $0x8FFFFFFF  }
0x9a: {  	s20 =	sld [smem:$0x3FDB];
	_ =	sdelay $0x1  }
0x9b: {  	s6 =	simm.s32 $_scs_section_size  }
0x9c: {  	s7 =	simm.s32 $_size__tile_overlayer_lowered;
	s8 =	simm.s32 $_tile_overlayer_lowered  }
0x9d: {  	s23 =	simm.s32 $0x1BFF;
	s22 =	sshll.u32 s8, $0x1;
	s5 =	sadd.s32 s6, s20  }
0x9e: {  	s9 =	simm.s32 $0x0;
	s21 =	sshll.u32 s7, $0x1;
	s7 =	sadd.s32 s22, s5  }
0x9f: {  	[timem:s9], [sflag:s23] =	dma.local [hbm:s7], s21  }
0xa0: {  	_ =	swait.ge [sflag:s23], s21  }
0xa1: {  	s6 =	ssub.s32 $0x0, s21;
	[sflag:s23] =	ssyncset.done $0x0  }
0xa2: {  	[sflag:s23] =	ssyncadd.s32 s6;
	_ =	sdelay $0x1  }
0xa3: {  	s24 =	simm.s32 $0x1B8B  }
0xa4: {  	_ =	swait.ge [sflag:s24], $0x1  }
0xa5: {  	[sflag:s24] =	ssyncset.done $0x0  }
0xa6: {  	s25 =	simm.s32 $0x1B8E;
	[sflag:s24] =	ssyncadd.s32 $0xFFFFFFFF  }
0xa7: {  	s26 =	simm.s32 $execute0_lowered;
	[smem:$0x3FD2] =	sst s25  }
0xa8: {  	s6 =	sshll.u32 s26, $0x1;
	_ =	strace $0x80000046;
	[dreg:$0x1] =	wrdreg $0xFFFFFFFF  }
0xa9: {  	s28 =	simm.s32 $_size_execute0_lowered;
	s5 =	sadd.s32 s5, s6;
	[dreg:$0x0] =	wrdreg $0x0  }
0xaa: {  	s6 =	sshll.u32 s28, $0x1;
	[dreg:$0x2] =	wrdreg s5  }
0xab: {  	[dreg:$0x3] =	wrdreg s6  }
0xac: {  	[dreg:$0x4] =	wrdreg $0xC0  }
0xad: {  	_ =	task [dreg:s9], $0x5FFFF  }
0xae: {  	[dreg:$0x1] =	wrdreg $0xFFFFFFFF  }
0xaf: {  	[dreg:$0x0] =	wrdreg $0x60  }
0xb0: {  	[dreg:$0x2] =	wrdreg s2  }
0xb1: {  	[dreg:$0x3] =	wrdreg s19  }
0xb2: {  	[dreg:$0x4] =	wrdreg s4  }
0xb3: {  	[dreg:$0x5] =	wrdreg $0x9  }
0xb4: {  	_ =	task.clear_ibuf [dreg:s9], $0x6FFFF;
	_ =	strace $0x90000046  }
0xb5: {  	s29 =	simm.s32 $0x9;
	_ =	strace $0x80000048  }
0xb6: {  	_ =	swait.ge [sflag:s29], $0x1  }
0xb7: {  	[sflag:s29] =	ssyncadd.s32 $0xFFFFFFFF  }
0xb8: {  	_ =	strace $0x90000048  }
0xb9: {  	_ =	sfence  }
0xba: {  	s30 =	sld [smem:$0x0];
	_ =	sdelay $0x2  }
0xbb: {  	s31 =	sshll.u32 s1, $0xD;
	s1 =	sshrl.u32 s1, $0x2  }
0xbc: {  	s3 =	sand.u32 $0x4000, s31;
	s1 =	sadd.s32 s1, s30  }
0xbd: {  	s0 =	sor.u32 s3, s0;
	s1 =	sshll.u32 s1, $0x11  }
0xbe: {  	s0 =	sor.u32 s1, s0  }
0xbf: {  	s0 =	sadd.s32 $0x8F2B, s0  }
0xc0: {  	[sflag:s0] =	ssyncadd.remote.s32 $0x1  }
0xc1: {  	_ =	sfence.sel $0xFFFF  }
0xc2: {  	[dreg:$0x0] =	wrdreg $0xFFFFFFFF;
	(pc) =	sbr.abs _section_cstart, $3  }
0xc3: {  	[dreg:$0x1] =	wrdreg $0xFFFFFFFF  }
0xc4: {  	_ =	task.clear_ibuf [dreg:s9], $0x2FFFF;
	_ =	strace $0x9FFFFFFF  }
0xc5: {  	(tm) =	ssettm $0x7FFFFFFF  }
tec
execute0_lowered:
.L_overlay_start_1:
0x0: {  	(tag) =	ssettag $0x1  }
0x1: {  	s1 =	rddreg [dreg:$0x0]  }
0x2: {  	s6 =	rddreg [dreg:$0x1]  }
0x3: {  	s4 =	rddreg [dreg:$0x2];
	s5 =	simm.s32 $0x0  }
0x4: {  	s0 =	srdreg.scid;
	[smem:$0x7FF] =	sst s5;
	s18 =	sadd.s32 $0x80000, s1  }
0x5: {  	s19 =	sadd.s32 $0x100000, s1;
	_ =	strace $0x80000047;
	[dreg:$0x9] =	wrdreg s18  }
0x6: {  	s3 =	stileid.u32;
	s8 =	sadd.s32 $0x180000, s1;
	[dreg:$0xa] =	wrdreg s19  }
0x7: {  	s0 =	sand.u32 $0x1, s0;
	s22 =	sadd.s32 $0x80000, s4;
	[dreg:$0xb] =	wrdreg s8  }
0x8: {  	s3 =	sshll.u32 s3, $0x7;
	s23 =	sadd.s32 $0x100000, s4;
	[dreg:$0xf] =	wrdreg s22  }
0x9: {  	s24 =	sadd.s32 $0x180000, s4;
	s2 =	sshll.u32 s0, $0xB;
	[dreg:$0x10] =	wrdreg s23  }
0xa: {  	s31 =	simm.s32 $0x6000;
	[dreg:$0x11] =	wrdreg s24;
	s3 =	sor.u32 s3, s2  }
0xb: {  	s28 =	simm.s32 $0x6;
	s7 =	sshll.u32 s3, $0x7;
	[dreg:$0x4] =	wrdreg s3  }
0xc: {  	s29 =	simm.s32 $0xA;
	s26 =	sor.u32 $0x10, s3;
	[dreg:$0x5] =	wrdreg s7  }
0xd: {  	s13 =	simm.s32 $0xB;
	s6 =	sadd.s32 s6, s7;
	[dreg:$0x13] =	wrdreg s26  }
0xe: {  	s0 =	ssub.s32 $0x2, s0;
	s17 =	sadd.s32 s1, s7;
	[dreg:$0x6] =	wrdreg s6  }
0xf: {  	s23 =	simm.s32 $0x8;
	s2 =	sadd.s32 s7, s18;
	[dreg:$0x8] =	wrdreg s17  }
0x10: {  	s15 =	sshrl.u32 s0, $0x1;
	s20 =	sadd.s32 s7, s19;
	[dreg:$0xc] =	wrdreg s2  }
0x11: {  	s0 =	ssub.s32 s0, s15;
	s21 =	sadd.s32 s7, s8;
	[dreg:$0xd] =	wrdreg s20  }
.Ltmp0:
0x12: {  	s0 =	smax.u32 s0, $0x1;
	[dreg:$0xe] =	wrdreg s21;
	(pc) =	sbr.rel .LBB2_1-.Ltmp0, $4  }
0x13: {  	s18 =	sshrl.u32 s3, $0x3;
	s16 =	sadd.s32 $0x400, s6;
	[dreg:$0x15] =	wrdreg s0  }
0x14: {  	s26 =	simm.s32 $0x8000;
	s25 =	sor.u32 $0x2, s18;
	[dreg:$0x7] =	wrdreg s16  }
0x15: {  	s3 =	simm.s32 $0x7;
	s30 =	sor.u32 $0x3, s18;
	[dreg:$0x12] =	wrdreg s25  }
0x16: {  	s7 =	simm.s32 $0x0;
	s6 =	simm.s32 $0xC;
	[dreg:$0x14] =	wrdreg s30  }
.LBB2_20:
0x17: {  	s0 =	simm.s32 $0xD  }
0x18: {  	_ =	swait.ge [sflag:s0], $0x2000  }
0x19: {  	[sflag:s0] =	ssyncset.done $0x0  }
0x1a: {  	s24 =	simm.s32 $0xE;
	[sflag:s0] =	ssyncadd.s32 $0xFFFFE000  }
0x1b: {  	_ =	swait.ge [sflag:s24], $0x2000  }
0x1c: {  	[sflag:s24] =	ssyncset.done $0x0  }
0x1d: {  	s25 =	simm.s32 $0xF;
	[sflag:s24] =	ssyncadd.s32 $0xFFFFE000  }
0x1e: {  	_ =	swait.ge [sflag:s25], $0x2000  }
0x1f: {  	[sflag:s25] =	ssyncset.done $0x0  }
0x20: {  	s2 =	simm.s32 $0x10;
	[sflag:s25] =	ssyncadd.s32 $0xFFFFE000  }
0x21: {  	_ =	swait.ge [sflag:s2], $0x2000  }
0x22: {  	s7 =	rddreg [dreg:$0x16]  }
0x23: {  	s30 =	rddreg [dreg:$0x15];
	s7 =	sadd.s32 $0x1, s7  }
0x24: {  	p0 =	sne.s32 s7, s30  }
.Ltmp1:
0x25: {  	_ = 	snop;
	(pc) =	sbr.rel @!p0 .LBB2_21-.Ltmp1, $3  }
0x26: {  	_ =	sdelay $0x1  }
0x27: {  	[sflag:s2] =	ssyncset.done $0x0  }
0x28: {  	[sflag:s2] =	ssyncadd.s32 $0xFFFFE000  }
.LBB2_1:
0x29: {  	[dreg:$0x16] =	wrdreg s7  }
0x2a: {  	s0 =	rddreg [dreg:$0x6];
	s2 =	simm.s32 $0x10000  }
0x2b: {  	[tilespmem:s2], [sflag:$0x11] =	stream.linear.gather [hbm4b:s0+s5], $0x2000, $0x38;
	[tilespmem:$0x14000] =	vst v63  }
0x2c: {  	s17 =	rddreg [dreg:$0x7];
	s19 =	simm.s32 $0x12000  }
0x2d: {  	[tilespmem:s19], [sflag:$0x12] =	stream.linear.gather [hbm4b:s17+s5], $0x2000, $0x38;
	[tilespmem:$0x14000] =	vst v63  }
0x2e: {  	s20 =	rddreg [dreg:$0x8]  }
0x2f: {  	[tilespmem:s5], [sflag:$0x1] =	stream.linear.gather [hbm4b:s20+s5], $0x2000, $0x38;
	[tilespmem:$0x14000] =	vst v63  }
0x30: {  	s21 =	rddreg [dreg:$0xc];
	s22 =	simm.s32 $0x2000  }
0x31: {  	[tilespmem:s22], [sflag:$0x2] =	stream.linear.gather [hbm4b:s21+s5], $0x2000, $0x38;
	[tilespmem:$0x14000] =	vst v63  }
0x32: {  	s24 =	rddreg [dreg:$0xd];
	s25 =	simm.s32 $0x4000  }
0x33: {  	[tilespmem:s25], [sflag:$0x3] =	stream.linear.gather [hbm4b:s24+s5], $0x2000, $0x38;
	[tilespmem:$0x14000] =	vst v63  }
0x34: {  	s30 =	rddreg [dreg:$0xe];
	s7 =	simm.s32 $0x0  }
0x35: {  	[tilespmem:s31], [sflag:$0x4] =	stream.linear.gather [hbm4b:s30+s5], $0x2000, $0x38;
	[tilespmem:$0x14000] =	vst v63  }
.LBB2_2:
0x36: {  	s0 =	simm.s32 $0x11  }
0x37: {  	_ =	swait.ge [sflag:s0], $0x2000  }
0x38: {  	[sflag:s0] =	ssyncset.done $0x0  }
0x39: {  	s8 =	simm.s32 $0x1;
	[sflag:s0] =	ssyncadd.s32 $0xFFFFE000;
	s0 =	simm.s32 $0x0  }
0x3a: {  	_ =	swait.ge [sflag:s8], $0x2000;
	s2 =	sand.u32 $0x1C00, s0  }
0x3b: {  	[sflag:s8] =	ssyncset.done $0x0;
	s9 =	sor.u32 s2, s0  }
0x3c: {  	s11 =	sand.u32 $0x380, s0;
	[sflag:s8] =	ssyncadd.s32 $0xFFFFE000;
	s9 =	sor.u32 $0x70, s9  }
0x3d: {  	s2 =	sor.u32 s11, s2;
	v0 =	vld [tilespmem:s9+$0x10000]  }
0x3e: {  	v3 =	vld [tilespmem:s2+$0x10000]  }
0x3f: {  	v4 =	vld [tilespmem:s2+$0x10010]  }
0x40: {  	v5 =	vld [tilespmem:s2+$0x10020]  }
0x41: {  	v6 =	vld [tilespmem:s2+$0x10030]  }
0x42: {  	v2 =	vld [tilespmem:s2+$0x10040]  }
0x43: {  	v1 =	vld [tilespmem:s2+$0x10050]  }
0x44: {  	[tilespmem:s9+$0x0] =	vst.add.f32.msk $0xffff, v0  }
0x45: {  	v0 =	vld [tilespmem:s2+$0x10060]  }
0x46: {  	s31 =	sor.u32 $0x10, s2;
	[tilespmem:s2+$0x0] =	vst.add.f32.msk $0xffff, v3  }
0x47: {  	s11 =	sor.u32 $0x20, s2;
	[tilespmem:s31+$0x0] =	vst.add.f32.msk $0xffff, v4  }
0x48: {  	s17 =	sor.u32 $0x30, s2;
	s16 =	sor.u32 $0x40, s2;
	s14 =	sor.u32 $0x50, s2;
	[tilespmem:s11+$0x0] =	vst.add.f32.msk $0xffff, v5  }
0x49: {  	s12 =	sor.u32 $0x60, s2;
	s9 =	simm.s32 $0x0;
	[tilespmem:s17+$0x0] =	vst.add.f32.msk $0xffff, v6;
	s11 =	simm.s32 $0x400  }
.LBB2_3:
0x4a: {  	s2 =	sand.u32 $0x1C00, s11;
	s9 =	sadd.s32 $0x80, s9;
	[tilespmem:s16+$0x0] =	vst.add.f32.msk $0xffff, v2;
	s0 =	sadd.s32 $0x10, s0  }
0x4b: {  	s16 =	sand.u32 $0x380, s0;
	s17 =	sor.u32 s2, s0;
	p0 =	slt.u32 s9, $0x1F80;
	[tilespmem:s14+$0x0] =	vst.add.f32.msk $0xffff, v1  }
0x4c: {  	s2 =	sor.u32 s16, s2;
	s17 =	sor.u32 $0x70, s17;
	[tilespmem:s12+$0x0] =	vst.add.f32.msk $0xffff, v0  }
0x4d: {  	s19 =	sor.u32 $0x10, s2;
	s20 =	sor.u32 $0x20, s2;
	s21 =	sor.u32 $0x30, s2;
	v0 =	vld [tilespmem:s17+$0x10000]  }
0x4e: {  	s16 =	sor.u32 $0x40, s2;
	s14 =	sor.u32 $0x50, s2;
	s12 =	sor.u32 $0x60, s2;
	v3 =	vld [tilespmem:s2+$0x10000]  }
0x4f: {  	v4 =	vld [tilespmem:s2+$0x10010]  }
0x50: {  	v5 =	vld [tilespmem:s2+$0x10020]  }
0x51: {  	v6 =	vld [tilespmem:s2+$0x10030]  }
0x52: {  	[tilespmem:s17+$0x0] =	vst.add.f32.msk $0xffff, v0  }
0x53: {  	v2 =	vld [tilespmem:s2+$0x10040]  }
0x54: {  	v1 =	vld [tilespmem:s2+$0x10050]  }
.Ltmp2:
0x55: {  	v0 =	vld [tilespmem:s2+$0x10060];
	(pc) =	sbr.rel @p0 .LBB2_3-.Ltmp2, $4  }
0x56: {  	[tilespmem:s2+$0x0] =	vst.add.f32.msk $0xffff, v3  }
0x57: {  	[tilespmem:s19+$0x0] =	vst.add.f32.msk $0xffff, v4  }
0x58: {  	[tilespmem:s20+$0x0] =	vst.add.f32.msk $0xffff, v5  }
0x59: {  	s11 =	sadd.s32 $0x400, s11;
	[tilespmem:s21+$0x0] =	vst.add.f32.msk $0xffff, v6  }
0x5a: {  	[tilespmem:s16+$0x0] =	vst.add.f32.msk $0xffff, v2  }
0x5b: {  	[tilespmem:s14+$0x0] =	vst.add.f32.msk $0xffff, v1  }
0x5c: {  	s0 =	sshll.u32 s7, $0xB;
	s2 =	rddreg [dreg:$0x5]  }
0x5d: {  	p0 =	seq.s32 s7, $0x0;
	[tilespmem:s12+$0x0] =	vst.add.f32.msk $0xffff, v0;
	s19 =	sadd.s32 s2, s0  }
0x5e: {  	s17 =	sshll.u32 s7, $0x4;
	s21 =	rddreg [dreg:$0x4];
	s0 =	sadd.s32 s4, s19  }
0x5f: {  	[hbm4b:s0+s5] =	stream.linear.scatter [tilespmem:s5], [sflag:$0x9], $0x2000, $0x38;
	[tilespmem:$0x14000] =	vst v63  }
0x60: {  	s2 =	sor.u32 s17, s21;
	s0 =	simm.s32 @!p0 $0xD  }
0x61: {  	s2 =	sshll.u32 s2, $0x7;
	_ =	swait.ge @!p0 [sflag:s0], $0x2000  }
0x62: {  	s8 =	simm.s32 $0x2;
	s21 =	sor.u32 $0x400, s2;
	[sflag:s0] =	ssyncset.done @!p0 $0x0  }
0x63: {  	s12 =	simm.s32 $0x0;
	s22 =	sadd.s32 s1, s21;
	[sflag:s0] =	ssyncadd.s32 @!p0 $0xFFFFE000  }
0x64: {  	[tilespmem:s26], [sflag:$0x5] =	stream.linear.gather [hbm4b:s22+s12], $0x2000, $0x38;
	[tilespmem:$0x14000] =	vst v63  }
0x65: {  	s24 =	sand.u32 $0x1C00, s12;
	_ =	swait.ge [sflag:s8], $0x2000  }
0x66: {  	s25 =	sor.u32 s24, s12;
	[sflag:s8] =	ssyncset.done $0x0  }
0x67: {  	s9 =	sand.u32 $0x380, s12;
	s2 =	sor.u32 $0x70, s25;
	[sflag:s8] =	ssyncadd.s32 $0xFFFFE000  }
0x68: {  	s9 =	sor.u32 s9, s24;
	v0 =	vld [tilespmem:s2+$0x10000]  }
0x69: {  	v3 =	vld [tilespmem:s9+$0x10000]  }
0x6a: {  	v4 =	vld [tilespmem:s9+$0x10010]  }
0x6b: {  	v5 =	vld [tilespmem:s9+$0x10020]  }
0x6c: {  	v6 =	vld [tilespmem:s9+$0x10030]  }
0x6d: {  	v2 =	vld [tilespmem:s9+$0x10040]  }
0x6e: {  	v1 =	vld [tilespmem:s9+$0x10050]  }
0x6f: {  	[tilespmem:s2+$0x2000] =	vst.add.f32.msk $0xffff, v0  }
0x70: {  	s0 =	sor.u32 $0x2000, s9;
	v0 =	vld [tilespmem:s9+$0x10060]  }
0x71: {  	s26 =	sor.u32 $0x2010, s9;
	[tilespmem:s0+$0x0] =	vst.add.f32.msk $0xffff, v3  }
0x72: {  	s11 =	sshll.u32 s7, $0x3;
	s30 =	sor.u32 $0x2020, s9;
	[tilespmem:s26+$0x0] =	vst.add.f32.msk $0xffff, v4  }
0x73: {  	s31 =	sor.u32 $0x2030, s9;
	s20 =	sor.u32 $0x2040, s9;
	s16 =	sor.u32 $0x2050, s9;
	[tilespmem:s30+$0x0] =	vst.add.f32.msk $0xffff, v5  }
0x74: {  	s14 =	sor.u32 $0x2060, s9;
	s0 =	simm.s32 $0x0;
	[tilespmem:s31+$0x0] =	vst.add.f32.msk $0xffff, v6;
	s9 =	simm.s32 $0x400  }
.LBB2_5:
0x75: {  	s2 =	sand.u32 $0x1C00, s9;
	s0 =	sadd.s32 $0x80, s0;
	[tilespmem:s20+$0x0] =	vst.add.f32.msk $0xffff, v2;
	s12 =	sadd.s32 $0x10, s12  }
0x76: {  	s20 =	sand.u32 $0x380, s12;
	s22 =	sor.u32 s2, s12;
	p1 =	slt.u32 s0, $0x1F80;
	[tilespmem:s16+$0x0] =	vst.add.f32.msk $0xffff, v1  }
0x77: {  	s2 =	sor.u32 s20, s2;
	s22 =	sor.u32 $0x70, s22;
	[tilespmem:s14+$0x0] =	vst.add.f32.msk $0xffff, v0  }
0x78: {  	s30 =	sor.u32 $0x2000, s2;
	s31 =	sor.u32 $0x2010, s2;
	s25 =	sor.u32 $0x2020, s2;
	v0 =	vld [tilespmem:s22+$0x10000]  }
0x79: {  	s10 =	sor.u32 $0x2030, s2;
	s20 =	sor.u32 $0x2040, s2;
	s16 =	sor.u32 $0x2050, s2;
	v3 =	vld [tilespmem:s2+$0x10000]  }
0x7a: {  	s14 =	sor.u32 $0x2060, s2;
	v4 =	vld [tilespmem:s2+$0x10010]  }
0x7b: {  	v5 =	vld [tilespmem:s2+$0x10020]  }
0x7c: {  	v6 =	vld [tilespmem:s2+$0x10030]  }
0x7d: {  	[tilespmem:s22+$0x2000] =	vst.add.f32.msk $0xffff, v0  }
0x7e: {  	v2 =	vld [tilespmem:s2+$0x10040]  }
0x7f: {  	v1 =	vld [tilespmem:s2+$0x10050]  }
.Ltmp3:
0x80: {  	v0 =	vld [tilespmem:s2+$0x10060];
	(pc) =	sbr.rel @p1 .LBB2_5-.Ltmp3, $4  }
0x81: {  	[tilespmem:s30+$0x0] =	vst.add.f32.msk $0xffff, v3  }
0x82: {  	[tilespmem:s31+$0x0] =	vst.add.f32.msk $0xffff, v4  }
0x83: {  	[tilespmem:s25+$0x0] =	vst.add.f32.msk $0xffff, v5  }
0x84: {  	s9 =	sadd.s32 $0x400, s9;
	[tilespmem:s10+$0x0] =	vst.add.f32.msk $0xffff, v6  }
0x85: {  	[tilespmem:s20+$0x0] =	vst.add.f32.msk $0xffff, v2  }
0x86: {  	[tilespmem:s16+$0x0] =	vst.add.f32.msk $0xffff, v1  }
0x87: {  	[tilespmem:s14+$0x0] =	vst.add.f32.msk $0xffff, v0  }
0x88: {  	s0 =	rddreg [dreg:$0xf]  }
0x89: {  	s2 =	simm.s32 $0x2000;
	s12 =	sshll.u32 s7, $0x1;
	s0 =	sadd.s32 s19, s0  }
0x8a: {  	[hbm4b:s0+s5] =	stream.linear.scatter [tilespmem:s2], [sflag:$0xA], $0x2000, $0x38;
	[tilespmem:$0x14000] =	vst v63  }
0x8b: {  	s10 =	sor.u32 s12, s18;
	s0 =	simm.s32 @!p0 $0xE  }
0x8c: {  	s20 =	simm.s32 $0x0;
	s30 =	sshll.u32 s10, $0xA;
	_ =	swait.ge @!p0 [sflag:s0], $0x2000  }
0x8d: {  	s15 =	simm.s32 $0xA000;
	s22 =	sor.u32 $0x80400, s30;
	[sflag:s0] =	ssyncset.done @!p0 $0x0  }
0x8e: {  	s8 =	simm.s32 $0x3;
	s14 =	sadd.s32 s1, s22;
	[sflag:s0] =	ssyncadd.s32 @!p0 $0xFFFFE000  }
0x8f: {  	[tilespmem:s15], [sflag:$0x6] =	stream.linear.gather [hbm4b:s14+s20], $0x2000, $0x38;
	[tilespmem:$0x14000] =	vst v63  }
0x90: {  	s16 =	sand.u32 $0x1C00, s20;
	_ =	swait.ge [sflag:s8], $0x2000  }
0x91: {  	s24 =	sor.u32 s16, s20;
	[sflag:s8] =	ssyncset.done $0x0  }
0x92: {  	s9 =	sand.u32 $0x380, s20;
	s2 =	sor.u32 $0x70, s24;
	[sflag:s8] =	ssyncadd.s32 $0xFFFFE000  }
0x93: {  	s9 =	sor.u32 s9, s16;
	v0 =	vld [tilespmem:s2+$0x10000]  }
0x94: {  	v3 =	vld [tilespmem:s9+$0x10000]  }
0x95: {  	v4 =	vld [tilespmem:s9+$0x10010]  }
0x96: {  	v5 =	vld [tilespmem:s9+$0x10020]  }
0x97: {  	v6 =	vld [tilespmem:s9+$0x10030]  }
0x98: {  	v2 =	vld [tilespmem:s9+$0x10040]  }
0x99: {  	v1 =	vld [tilespmem:s9+$0x10050]  }
0x9a: {  	[tilespmem:s2+$0x4000] =	vst.add.f32.msk $0xffff, v0  }
0x9b: {  	s0 =	sor.u32 $0x4000, s9;
	v0 =	vld [tilespmem:s9+$0x10060]  }
0x9c: {  	s25 =	sor.u32 $0x4010, s9;
	[tilespmem:s0+$0x0] =	vst.add.f32.msk $0xffff, v3  }
0x9d: {  	s10 =	sor.u32 $0x4020, s9;
	[tilespmem:s25+$0x0] =	vst.add.f32.msk $0xffff, v4  }
0x9e: {  	s26 =	sor.u32 $0x4030, s9;
	s31 =	sor.u32 $0x4040, s9;
	s16 =	sor.u32 $0x4050, s9;
	[tilespmem:s10+$0x0] =	vst.add.f32.msk $0xffff, v5  }
0x9f: {  	s14 =	sor.u32 $0x4060, s9;
	s0 =	simm.s32 $0x0;
	[tilespmem:s26+$0x0] =	vst.add.f32.msk $0xffff, v6;
	s9 =	simm.s32 $0x400  }
.LBB2_7:
0xa0: {  	s2 =	sand.u32 $0x1C00, s9;
	s0 =	sadd.s32 $0x80, s0;
	[tilespmem:s31+$0x0] =	vst.add.f32.msk $0xffff, v2;
	s20 =	sadd.s32 $0x10, s20  }
0xa1: {  	s10 =	sand.u32 $0x380, s20;
	s25 =	sor.u32 s2, s20;
	p1 =	slt.u32 s0, $0x1F80;
	[tilespmem:s16+$0x0] =	vst.add.f32.msk $0xffff, v1  }
0xa2: {  	s2 =	sor.u32 s10, s2;
	s10 =	sor.u32 $0x70, s25;
	[tilespmem:s14+$0x0] =	vst.add.f32.msk $0xffff, v0  }
0xa3: {  	s25 =	sor.u32 $0x4000, s2;
	s15 =	sor.u32 $0x4010, s2;
	s24 =	sor.u32 $0x4020, s2;
	v0 =	vld [tilespmem:s10+$0x10000]  }
0xa4: {  	s8 =	sor.u32 $0x4030, s2;
	s31 =	sor.u32 $0x4040, s2;
	s16 =	sor.u32 $0x4050, s2;
	v3 =	vld [tilespmem:s2+$0x10000]  }
0xa5: {  	s14 =	sor.u32 $0x4060, s2;
	v4 =	vld [tilespmem:s2+$0x10010]  }
0xa6: {  	v5 =	vld [tilespmem:s2+$0x10020]  }
0xa7: {  	v6 =	vld [tilespmem:s2+$0x10030]  }
0xa8: {  	[tilespmem:s10+$0x4000] =	vst.add.f32.msk $0xffff, v0  }
0xa9: {  	v2 =	vld [tilespmem:s2+$0x10040]  }
0xaa: {  	v1 =	vld [tilespmem:s2+$0x10050]  }
.Ltmp4:
0xab: {  	v0 =	vld [tilespmem:s2+$0x10060];
	(pc) =	sbr.rel @p1 .LBB2_7-.Ltmp4, $4  }
0xac: {  	[tilespmem:s25+$0x0] =	vst.add.f32.msk $0xffff, v3  }
0xad: {  	[tilespmem:s15+$0x0] =	vst.add.f32.msk $0xffff, v4  }
0xae: {  	[tilespmem:s24+$0x0] =	vst.add.f32.msk $0xffff, v5  }
0xaf: {  	s9 =	sadd.s32 $0x400, s9;
	[tilespmem:s8+$0x0] =	vst.add.f32.msk $0xffff, v6  }
0xb0: {  	[tilespmem:s31+$0x0] =	vst.add.f32.msk $0xffff, v2  }
0xb1: {  	[tilespmem:s16+$0x0] =	vst.add.f32.msk $0xffff, v1  }
0xb2: {  	[tilespmem:s14+$0x0] =	vst.add.f32.msk $0xffff, v0  }
0xb3: {  	s0 =	rddreg [dreg:$0x10]  }
0xb4: {  	s2 =	simm.s32 $0x4000;
	s0 =	sadd.s32 s19, s0  }
0xb5: {  	[hbm4b:s0+s5] =	stream.linear.scatter [tilespmem:s2], [sflag:$0xB], $0x2000, $0x38;
	[tilespmem:$0x14000] =	vst v63  }
0xb6: {  	s0 =	simm.s32 @!p0 $0xF  }
0xb7: {  	s20 =	sor.u32 $0x100400, s30;
	_ =	swait.ge @!p0 [sflag:s0], $0x2000  }
0xb8: {  	s8 =	simm.s32 $0xC000;
	s9 =	simm.s32 $0x4;
	[sflag:s0] =	ssyncset.done @!p0 $0x0  }
0xb9: {  	s10 =	sadd.s32 s1, s20;
	[sflag:s0] =	ssyncadd.s32 @!p0 $0xFFFFE000;
	s0 =	simm.s32 $0x0  }
0xba: {  	[tilespmem:s8], [sflag:$0x7] =	stream.linear.gather [hbm4b:s10+s0], $0x2000, $0x38;
	[tilespmem:$0x14000] =	vst v63  }
0xbb: {  	s14 =	sand.u32 $0x1C00, s0;
	_ =	swait.ge [sflag:s9], $0x2000  }
0xbc: {  	s15 =	sor.u32 s14, s0;
	[sflag:s9] =	ssyncset.done $0x0  }
0xbd: {  	s16 =	sand.u32 $0x380, s0;
	s8 =	sor.u32 $0x70, s15;
	[sflag:s9] =	ssyncadd.s32 $0xFFFFE000  }
0xbe: {  	s10 =	sor.u32 s16, s14;
	v0 =	vld [tilespmem:s8+$0x10000]  }
0xbf: {  	v3 =	vld [tilespmem:s10+$0x10000]  }
0xc0: {  	v4 =	vld [tilespmem:s10+$0x10010]  }
0xc1: {  	v5 =	vld [tilespmem:s10+$0x10020]  }
0xc2: {  	v6 =	vld [tilespmem:s10+$0x10030]  }
0xc3: {  	v2 =	vld [tilespmem:s10+$0x10040]  }
0xc4: {  	v1 =	vld [tilespmem:s10+$0x10050]  }
0xc5: {  	[tilespmem:s8+$0x6000] =	vst.add.f32.msk $0xffff, v0  }
0xc6: {  	s2 =	sor.u32 $0x6000, s10;
	v0 =	vld [tilespmem:s10+$0x10060]  }
0xc7: {  	s24 =	sor.u32 $0x6010, s10;
	[tilespmem:s2+$0x0] =	vst.add.f32.msk $0xffff, v3  }
0xc8: {  	s25 =	sor.u32 $0x6020, s10;
	[tilespmem:s24+$0x0] =	vst.add.f32.msk $0xffff, v4  }
0xc9: {  	s14 =	simm.s32 $0x400;
	s26 =	sor.u32 $0x6030, s10;
	s31 =	sor.u32 $0x6050, s10;
	[tilespmem:s25+$0x0] =	vst.add.f32.msk $0xffff, v5  }
0xca: {  	s16 =	sor.u32 $0x6060, s10;
	s9 =	simm.s32 $0x0;
	s2 =	sor.u32 $0x6040, s10;
	[tilespmem:s26+$0x0] =	vst.add.f32.msk $0xffff, v6  }
.LBB2_9:
0xcb: {  	s8 =	sand.u32 $0x1C00, s14;
	s9 =	sadd.s32 $0x80, s9;
	[tilespmem:s2+$0x0] =	vst.add.f32.msk $0xffff, v2;
	s0 =	sadd.s32 $0x10, s0  }
0xcc: {  	s2 =	sand.u32 $0x380, s0;
	s10 =	sor.u32 s8, s0;
	p1 =	slt.u32 s9, $0x1F80;
	[tilespmem:s31+$0x0] =	vst.add.f32.msk $0xffff, v1  }
0xcd: {  	s8 =	sor.u32 s2, s8;
	s10 =	sor.u32 $0x70, s10;
	[tilespmem:s16+$0x0] =	vst.add.f32.msk $0xffff, v0  }
0xce: {  	s15 =	sor.u32 $0x6000, s8;
	s24 =	sor.u32 $0x6010, s8;
	s25 =	sor.u32 $0x6020, s8;
	v0 =	vld [tilespmem:s10+$0x10000]  }
0xcf: {  	s26 =	sor.u32 $0x6030, s8;
	s2 =	sor.u32 $0x6040, s8;
	s31 =	sor.u32 $0x6050, s8;
	v3 =	vld [tilespmem:s8+$0x10000]  }
0xd0: {  	s16 =	sor.u32 $0x6060, s8;
	v4 =	vld [tilespmem:s8+$0x10010]  }
0xd1: {  	v5 =	vld [tilespmem:s8+$0x10020]  }
0xd2: {  	v6 =	vld [tilespmem:s8+$0x10030]  }
0xd3: {  	[tilespmem:s10+$0x6000] =	vst.add.f32.msk $0xffff, v0  }
0xd4: {  	v2 =	vld [tilespmem:s8+$0x10040]  }
0xd5: {  	v1 =	vld [tilespmem:s8+$0x10050]  }
.Ltmp5:
0xd6: {  	v0 =	vld [tilespmem:s8+$0x10060];
	(pc) =	sbr.rel @p1 .LBB2_9-.Ltmp5, $4  }
0xd7: {  	[tilespmem:s15+$0x0] =	vst.add.f32.msk $0xffff, v3  }
0xd8: {  	[tilespmem:s24+$0x0] =	vst.add.f32.msk $0xffff, v4  }
0xd9: {  	[tilespmem:s25+$0x0] =	vst.add.f32.msk $0xffff, v5  }
0xda: {  	s14 =	sadd.s32 $0x400, s14;
	[tilespmem:s26+$0x0] =	vst.add.f32.msk $0xffff, v6  }
0xdb: {  	[tilespmem:s2+$0x0] =	vst.add.f32.msk $0xffff, v2  }
0xdc: {  	[tilespmem:s31+$0x0] =	vst.add.f32.msk $0xffff, v1  }
0xdd: {  	[tilespmem:s16+$0x0] =	vst.add.f32.msk $0xffff, v0  }
0xde: {  	s0 =	rddreg [dreg:$0x11]  }
0xdf: {  	s31 =	simm.s32 $0x6000;
	s0 =	sadd.s32 s19, s0  }
0xe0: {  	[hbm4b:s0+s5] =	stream.linear.scatter [tilespmem:s31], [sflag:$0xC], $0x2000, $0x38;
	[tilespmem:$0x14000] =	vst v63  }
0xe1: {  	s0 =	simm.s32 @!p0 $0x10  }
0xe2: {  	s19 =	sor.u32 $0x180400, s30;
	_ =	swait.ge @!p0 [sflag:s0], $0x2000  }
0xe3: {  	s10 =	simm.s32 $0xE000;
	s9 =	sadd.s32 s1, s19;
	[sflag:s0] =	ssyncset.done @!p0 $0x0  }
0xe4: {  	[sflag:s0] =	ssyncadd.s32 @!p0 $0xFFFFE000;
	p0 =	seq.s32 s7, $0x7;
	s0 =	rddreg [dreg:$0x12]  }
0xe5: {  	[tilespmem:s10], [sflag:$0x8] =	stream.linear.gather [hbm4b:s9+s5], $0x2000, $0x38;
	[tilespmem:$0x14000] =	vst v63  }
0xe6: {  	s0 =	sadd.s32 @!p0 s0, s12  }
0xe7: {  	s0 =	sshll.u32 @!p0 s0, $0xA  }
0xe8: {  	s14 =	simm.s32 $0x12;
	s2 =	rddreg [dreg:$0x1];
	s0 =	sand.u32 @!p0 $0x1FFFF800, s0  }
0xe9: {  	s8 =	simm.s32 @!p0 $0x10000;
	s0 =	sadd.s32 @!p0 s2, s0;
	s2 =	simm.s32 @!p0 $0x0  }
0xea: {  	[tilespmem:s8], [sflag:$0x11] =	stream.linear.gather @!p0 [hbm4b:s0+s2], $0x2000, $0x38;
	[tilespmem:$0x14000] =	vst v63  }
0xeb: {  	_ =	swait.ge [sflag:s14], $0x2000  }
0xec: {  	[sflag:s14] =	ssyncset.done $0x0  }
0xed: {  	s9 =	simm.s32 $0x5;
	s0 =	simm.s32 $0x0;
	[sflag:s14] =	ssyncadd.s32 $0xFFFFE000  }
0xee: {  	s15 =	sand.u32 $0x1C00, s0;
	_ =	swait.ge [sflag:s9], $0x2000  }
0xef: {  	s16 =	sor.u32 s15, s0;
	[sflag:s9] =	ssyncset.done $0x0  }
0xf0: {  	s24 =	sand.u32 $0x380, s0;
	s8 =	sor.u32 $0x70, s16;
	[sflag:s9] =	ssyncadd.s32 $0xFFFFE000  }
0xf1: {  	s10 =	sor.u32 s24, s15;
	v0 =	vld [tilespmem:s8+$0x12000]  }
0xf2: {  	v3 =	vld [tilespmem:s10+$0x12000]  }
0xf3: {  	v4 =	vld [tilespmem:s10+$0x12010]  }
0xf4: {  	v5 =	vld [tilespmem:s10+$0x12020]  }
0xf5: {  	v6 =	vld [tilespmem:s10+$0x12030]  }
0xf6: {  	v2 =	vld [tilespmem:s10+$0x12040]  }
0xf7: {  	v1 =	vld [tilespmem:s10+$0x12050]  }
0xf8: {  	[tilespmem:s8+$0x8000] =	vst.add.f32.msk $0xffff, v0  }
0xf9: {  	s2 =	sor.u32 $0x8000, s10;
	v0 =	vld [tilespmem:s10+$0x12060]  }
0xfa: {  	s25 =	sor.u32 $0x8010, s10;
	[tilespmem:s2+$0x0] =	vst.add.f32.msk $0xffff, v3  }
0xfb: {  	s14 =	sor.u32 $0x8020, s10;
	[tilespmem:s25+$0x0] =	vst.add.f32.msk $0xffff, v4  }
0xfc: {  	s26 =	sor.u32 $0x8030, s10;
	s30 =	sor.u32 $0x8050, s10;
	s16 =	sor.u32 $0x8060, s10;
	[tilespmem:s14+$0x0] =	vst.add.f32.msk $0xffff, v5  }
0xfd: {  	s9 =	simm.s32 $0x0;
	s2 =	sor.u32 $0x8040, s10;
	[tilespmem:s26+$0x0] =	vst.add.f32.msk $0xffff, v6;
	s14 =	simm.s32 $0x400  }
.LBB2_11:
0xfe: {  	s8 =	sand.u32 $0x1C00, s14;
	s9 =	sadd.s32 $0x80, s9;
	[tilespmem:s2+$0x0] =	vst.add.f32.msk $0xffff, v2;
	s0 =	sadd.s32 $0x10, s0  }
0xff: {  	s2 =	sand.u32 $0x380, s0;
	s10 =	sor.u32 s8, s0;
	p1 =	slt.u32 s9, $0x1F80;
	[tilespmem:s30+$0x0] =	vst.add.f32.msk $0xffff, v1  }
0x100: {  	s8 =	sor.u32 s2, s8;
	s10 =	sor.u32 $0x70, s10;
	[tilespmem:s16+$0x0] =	vst.add.f32.msk $0xffff, v0  }
0x101: {  	s15 =	sor.u32 $0x8000, s8;
	s24 =	sor.u32 $0x8010, s8;
	s25 =	sor.u32 $0x8020, s8;
	v0 =	vld [tilespmem:s10+$0x12000]  }
0x102: {  	s26 =	sor.u32 $0x8030, s8;
	s2 =	sor.u32 $0x8040, s8;
	s30 =	sor.u32 $0x8050, s8;
	v3 =	vld [tilespmem:s8+$0x12000]  }
0x103: {  	s16 =	sor.u32 $0x8060, s8;
	v4 =	vld [tilespmem:s8+$0x12010]  }
0x104: {  	v5 =	vld [tilespmem:s8+$0x12020]  }
0x105: {  	v6 =	vld [tilespmem:s8+$0x12030]  }
0x106: {  	[tilespmem:s10+$0x8000] =	vst.add.f32.msk $0xffff, v0  }
0x107: {  	v2 =	vld [tilespmem:s8+$0x12040]  }
0x108: {  	v1 =	vld [tilespmem:s8+$0x12050]  }
.Ltmp6:
0x109: {  	v0 =	vld [tilespmem:s8+$0x12060];
	(pc) =	sbr.rel @p1 .LBB2_11-.Ltmp6, $4  }
0x10a: {  	[tilespmem:s15+$0x0] =	vst.add.f32.msk $0xffff, v3  }
0x10b: {  	[tilespmem:s24+$0x0] =	vst.add.f32.msk $0xffff, v4  }
0x10c: {  	[tilespmem:s25+$0x0] =	vst.add.f32.msk $0xffff, v5  }
0x10d: {  	s14 =	sadd.s32 $0x400, s14;
	[tilespmem:s26+$0x0] =	vst.add.f32.msk $0xffff, v6  }
0x10e: {  	[tilespmem:s2+$0x0] =	vst.add.f32.msk $0xffff, v2  }
0x10f: {  	[tilespmem:s30+$0x0] =	vst.add.f32.msk $0xffff, v1  }
0x110: {  	[tilespmem:s16+$0x0] =	vst.add.f32.msk $0xffff, v0;
	s0 =	sadd.s32 s4, s21;
	s26 =	simm.s32 $0x8000;
	s21 =	simm.s32 $0x9  }
0x111: {  	[hbm4b:s0+s5] =	stream.linear.scatter [tilespmem:s26], [sflag:$0xD], $0x2000, $0x38;
	[tilespmem:$0x14000] =	vst v63  }
0x112: {  	_ =	swait.ge [sflag:s21], $0x2000  }
0x113: {  	s0 =	rddreg [dreg:$0x13]  }
0x114: {  	s0 =	sadd.s32 @!p0 s17, s0  }
0x115: {  	[sflag:s21] =	ssyncset.done $0x0;
	s0 =	sshll.u32 @!p0 s0, $0x7  }
0x116: {  	s2 =	simm.s32 @!p0 $0x0;
	[sflag:s21] =	ssyncadd.s32 $0xFFFFE000;
	s0 =	sadd.s32 @!p0 s1, s0  }
0x117: {  	[tilespmem:s2], [sflag:$0x1] =	stream.linear.gather @!p0 [hbm4b:s0+s2], $0x2000, $0x38;
	[tilespmem:$0x14000] =	vst v63  }
0x118: {  	s0 =	simm.s32 $0x0  }
0x119: {  	_ =	swait.ge [sflag:s28], $0x2000;
	s24 =	sand.u32 $0x1C00, s0  }
0x11a: {  	[sflag:s28] =	ssyncset.done $0x0;
	s8 =	sor.u32 s24, s0  }
0x11b: {  	s9 =	sand.u32 $0x380, s0;
	[sflag:s28] =	ssyncadd.s32 $0xFFFFE000;
	s8 =	sor.u32 $0x70, s8  }
0x11c: {  	s10 =	sor.u32 s9, s24;
	v0 =	vld [tilespmem:s8+$0x12000]  }
0x11d: {  	v3 =	vld [tilespmem:s10+$0x12000]  }
0x11e: {  	v4 =	vld [tilespmem:s10+$0x12010]  }
0x11f: {  	v5 =	vld [tilespmem:s10+$0x12020]  }
0x120: {  	v6 =	vld [tilespmem:s10+$0x12030]  }
0x121: {  	v2 =	vld [tilespmem:s10+$0x12040]  }
0x122: {  	v1 =	vld [tilespmem:s10+$0x12050]  }
0x123: {  	[tilespmem:s8+$0xA000] =	vst.add.f32.msk $0xffff, v0  }
0x124: {  	s2 =	sor.u32 $0xA000, s10;
	v0 =	vld [tilespmem:s10+$0x12060]  }
0x125: {  	s25 =	sor.u32 $0xA010, s10;
	[tilespmem:s2+$0x0] =	vst.add.f32.msk $0xffff, v3  }
0x126: {  	s14 =	sor.u32 $0xA020, s10;
	[tilespmem:s25+$0x0] =	vst.add.f32.msk $0xffff, v4  }
0x127: {  	s9 =	simm.s32 $0x0;
	s30 =	sor.u32 $0xA030, s10;
	s17 =	sor.u32 $0xA050, s10;
	[tilespmem:s14+$0x0] =	vst.add.f32.msk $0xffff, v5  }
0x128: {  	s16 =	sor.u32 $0xA060, s10;
	s2 =	sor.u32 $0xA040, s10;
	[tilespmem:s30+$0x0] =	vst.add.f32.msk $0xffff, v6;
	s14 =	simm.s32 $0x400  }
.LBB2_13:
0x129: {  	s8 =	sand.u32 $0x1C00, s14;
	s9 =	sadd.s32 $0x80, s9;
	[tilespmem:s2+$0x0] =	vst.add.f32.msk $0xffff, v2;
	s0 =	sadd.s32 $0x10, s0  }
0x12a: {  	s2 =	sand.u32 $0x380, s0;
	s10 =	sor.u32 s8, s0;
	p1 =	slt.u32 s9, $0x1F80;
	[tilespmem:s17+$0x0] =	vst.add.f32.msk $0xffff, v1  }
0x12b: {  	s8 =	sor.u32 s2, s8;
	s10 =	sor.u32 $0x70, s10;
	[tilespmem:s16+$0x0] =	vst.add.f32.msk $0xffff, v0  }
0x12c: {  	s15 =	sor.u32 $0xA000, s8;
	s21 =	sor.u32 $0xA010, s8;
	s24 =	sor.u32 $0xA020, s8;
	v0 =	vld [tilespmem:s10+$0x12000]  }
0x12d: {  	s25 =	sor.u32 $0xA030, s8;
	s2 =	sor.u32 $0xA040, s8;
	s17 =	sor.u32 $0xA050, s8;
	v3 =	vld [tilespmem:s8+$0x12000]  }
0x12e: {  	s16 =	sor.u32 $0xA060, s8;
	v4 =	vld [tilespmem:s8+$0x12010]  }
0x12f: {  	v5 =	vld [tilespmem:s8+$0x12020]  }
0x130: {  	v6 =	vld [tilespmem:s8+$0x12030]  }
0x131: {  	[tilespmem:s10+$0xA000] =	vst.add.f32.msk $0xffff, v0  }
0x132: {  	v2 =	vld [tilespmem:s8+$0x12040]  }
0x133: {  	v1 =	vld [tilespmem:s8+$0x12050]  }
.Ltmp7:
0x134: {  	v0 =	vld [tilespmem:s8+$0x12060];
	(pc) =	sbr.rel @p1 .LBB2_13-.Ltmp7, $4  }
0x135: {  	[tilespmem:s15+$0x0] =	vst.add.f32.msk $0xffff, v3  }
0x136: {  	[tilespmem:s21+$0x0] =	vst.add.f32.msk $0xffff, v4  }
0x137: {  	[tilespmem:s24+$0x0] =	vst.add.f32.msk $0xffff, v5  }
0x138: {  	s14 =	sadd.s32 $0x400, s14;
	[tilespmem:s25+$0x0] =	vst.add.f32.msk $0xffff, v6  }
0x139: {  	[tilespmem:s2+$0x0] =	vst.add.f32.msk $0xffff, v2  }
0x13a: {  	[tilespmem:s17+$0x0] =	vst.add.f32.msk $0xffff, v1  }
0x13b: {  	[tilespmem:s16+$0x0] =	vst.add.f32.msk $0xffff, v0;
	s0 =	sadd.s32 s4, s22;
	s21 =	simm.s32 $0xA000  }
0x13c: {  	[hbm4b:s0+s5] =	stream.linear.scatter [tilespmem:s21], [sflag:$0xE], $0x2000, $0x38;
	[tilespmem:$0x14000] =	vst v63  }
0x13d: {  	s0 =	sshrl.u32 @!p0 s11, $0x2  }
0x13e: {  	_ =	swait.ge [sflag:s29], $0x2000;
	s0 =	sadd.s32 @!p0 s18, s0  }
0x13f: {  	s17 =	sshll.u32 @!p0 s0, $0xA;
	s0 =	rddreg [dreg:$0x9]  }
0x140: {  	s2 =	simm.s32 @!p0 $0x0;
	[sflag:s29] =	ssyncset.done $0x0;
	s0 =	sadd.s32 @!p0 s0, s17  }
0x141: {  	s8 =	simm.s32 @!p0 $0x2000;
	[sflag:s29] =	ssyncadd.s32 $0xFFFFE000;
	s0 =	sadd.s32 @!p0 $0x800, s0  }
0x142: {  	[tilespmem:s8], [sflag:$0x2] =	stream.linear.gather @!p0 [hbm4b:s0+s2], $0x2000, $0x38;
	[tilespmem:$0x14000] =	vst v63  }
0x143: {  	s0 =	simm.s32 $0x0  }
0x144: {  	_ =	swait.ge [sflag:s3], $0x2000;
	s22 =	sand.u32 $0x1C00, s0  }
0x145: {  	[sflag:s3] =	ssyncset.done $0x0;
	s24 =	sor.u32 s22, s0  }
0x146: {  	s9 =	sand.u32 $0x380, s0;
	[sflag:s3] =	ssyncadd.s32 $0xFFFFE000;
	s8 =	sor.u32 $0x70, s24  }
0x147: {  	s10 =	sor.u32 s9, s22;
	v0 =	vld [tilespmem:s8+$0x12000]  }
0x148: {  	v3 =	vld [tilespmem:s10+$0x12000]  }
0x149: {  	v4 =	vld [tilespmem:s10+$0x12010]  }
0x14a: {  	v5 =	vld [tilespmem:s10+$0x12020]  }
0x14b: {  	v6 =	vld [tilespmem:s10+$0x12030]  }
0x14c: {  	v2 =	vld [tilespmem:s10+$0x12040]  }
0x14d: {  	v1 =	vld [tilespmem:s10+$0x12050]  }
0x14e: {  	[tilespmem:s8+$0xC000] =	vst.add.f32.msk $0xffff, v0  }
0x14f: {  	s2 =	sor.u32 $0xC000, s10;
	v0 =	vld [tilespmem:s10+$0x12060]  }
0x150: {  	s25 =	sor.u32 $0xC010, s10;
	[tilespmem:s2+$0x0] =	vst.add.f32.msk $0xffff, v3  }
0x151: {  	s14 =	sor.u32 $0xC020, s10;
	[tilespmem:s25+$0x0] =	vst.add.f32.msk $0xffff, v4  }
0x152: {  	s9 =	simm.s32 $0x0;
	s30 =	sor.u32 $0xC030, s10;
	s21 =	sor.u32 $0xC050, s10;
	[tilespmem:s14+$0x0] =	vst.add.f32.msk $0xffff, v5  }
0x153: {  	s16 =	sor.u32 $0xC060, s10;
	s2 =	sor.u32 $0xC040, s10;
	[tilespmem:s30+$0x0] =	vst.add.f32.msk $0xffff, v6;
	s14 =	simm.s32 $0x400  }
.LBB2_15:
0x154: {  	s8 =	sand.u32 $0x1C00, s14;
	s9 =	sadd.s32 $0x80, s9;
	[tilespmem:s2+$0x0] =	vst.add.f32.msk $0xffff, v2;
	s0 =	sadd.s32 $0x10, s0  }
0x155: {  	s2 =	sand.u32 $0x380, s0;
	s10 =	sor.u32 s8, s0;
	p1 =	slt.u32 s9, $0x1F80;
	[tilespmem:s21+$0x0] =	vst.add.f32.msk $0xffff, v1  }
0x156: {  	s8 =	sor.u32 s2, s8;
	s10 =	sor.u32 $0x70, s10;
	[tilespmem:s16+$0x0] =	vst.add.f32.msk $0xffff, v0  }
0x157: {  	s15 =	sor.u32 $0xC000, s8;
	s22 =	sor.u32 $0xC010, s8;
	s24 =	sor.u32 $0xC020, s8;
	v0 =	vld [tilespmem:s10+$0x12000]  }
0x158: {  	s25 =	sor.u32 $0xC030, s8;
	s2 =	sor.u32 $0xC040, s8;
	s21 =	sor.u32 $0xC050, s8;
	v3 =	vld [tilespmem:s8+$0x12000]  }
0x159: {  	s16 =	sor.u32 $0xC060, s8;
	v4 =	vld [tilespmem:s8+$0x12010]  }
0x15a: {  	v5 =	vld [tilespmem:s8+$0x12020]  }
0x15b: {  	v6 =	vld [tilespmem:s8+$0x12030]  }
0x15c: {  	[tilespmem:s10+$0xC000] =	vst.add.f32.msk $0xffff, v0  }
0x15d: {  	v2 =	vld [tilespmem:s8+$0x12040]  }
0x15e: {  	v1 =	vld [tilespmem:s8+$0x12050]  }
.Ltmp8:
0x15f: {  	v0 =	vld [tilespmem:s8+$0x12060];
	(pc) =	sbr.rel @p1 .LBB2_15-.Ltmp8, $4  }
0x160: {  	[tilespmem:s15+$0x0] =	vst.add.f32.msk $0xffff, v3  }
0x161: {  	[tilespmem:s22+$0x0] =	vst.add.f32.msk $0xffff, v4  }
0x162: {  	[tilespmem:s24+$0x0] =	vst.add.f32.msk $0xffff, v5  }
0x163: {  	s14 =	sadd.s32 $0x400, s14;
	[tilespmem:s25+$0x0] =	vst.add.f32.msk $0xffff, v6  }
0x164: {  	[tilespmem:s2+$0x0] =	vst.add.f32.msk $0xffff, v2  }
0x165: {  	[tilespmem:s21+$0x0] =	vst.add.f32.msk $0xffff, v1  }
0x166: {  	[tilespmem:s16+$0x0] =	vst.add.f32.msk $0xffff, v0;
	s0 =	sadd.s32 s4, s20;
	s21 =	simm.s32 $0xC000  }
0x167: {  	[hbm4b:s0+s5] =	stream.linear.scatter [tilespmem:s21], [sflag:$0xF], $0x2000, $0x38;
	[tilespmem:$0x14000] =	vst v63  }
0x168: {  	_ =	swait.ge [sflag:s13], $0x2000  }
0x169: {  	s0 =	rddreg [dreg:$0xa]  }
0x16a: {  	s2 =	simm.s32 @!p0 $0x0;
	[sflag:s13] =	ssyncset.done $0x0;
	s0 =	sadd.s32 @!p0 s0, s17  }
0x16b: {  	s8 =	simm.s32 @!p0 $0x4000;
	[sflag:s13] =	ssyncadd.s32 $0xFFFFE000;
	s0 =	sadd.s32 @!p0 $0x800, s0  }
0x16c: {  	[tilespmem:s8], [sflag:$0x3] =	stream.linear.gather @!p0 [hbm4b:s0+s2], $0x2000, $0x38;
	[tilespmem:$0x14000] =	vst v63  }
0x16d: {  	s0 =	simm.s32 $0x0  }
0x16e: {  	_ =	swait.ge [sflag:s23], $0x2000;
	s22 =	sand.u32 $0x1C00, s0  }
0x16f: {  	[sflag:s23] =	ssyncset.done $0x0;
	s24 =	sor.u32 s22, s0  }
0x170: {  	s9 =	sand.u32 $0x380, s0;
	[sflag:s23] =	ssyncadd.s32 $0xFFFFE000;
	s8 =	sor.u32 $0x70, s24  }
0x171: {  	s10 =	sor.u32 s9, s22;
	v0 =	vld [tilespmem:s8+$0x12000]  }
0x172: {  	v3 =	vld [tilespmem:s10+$0x12000]  }
0x173: {  	v4 =	vld [tilespmem:s10+$0x12010]  }
0x174: {  	v5 =	vld [tilespmem:s10+$0x12020]  }
0x175: {  	v6 =	vld [tilespmem:s10+$0x12030]  }
0x176: {  	v2 =	vld [tilespmem:s10+$0x12040]  }
0x177: {  	v1 =	vld [tilespmem:s10+$0x12050]  }
0x178: {  	[tilespmem:s8+$0xE000] =	vst.add.f32.msk $0xffff, v0  }
0x179: {  	s2 =	sor.u32 $0xE000, s10;
	v0 =	vld [tilespmem:s10+$0x12060]  }
0x17a: {  	s25 =	sor.u32 $0xE010, s10;
	[tilespmem:s2+$0x0] =	vst.add.f32.msk $0xffff, v3  }
0x17b: {  	s14 =	sor.u32 $0xE020, s10;
	[tilespmem:s25+$0x0] =	vst.add.f32.msk $0xffff, v4  }
0x17c: {  	s9 =	simm.s32 $0x0;
	s30 =	sor.u32 $0xE030, s10;
	s17 =	sor.u32 $0xE050, s10;
	[tilespmem:s14+$0x0] =	vst.add.f32.msk $0xffff, v5  }
0x17d: {  	s16 =	sor.u32 $0xE060, s10;
	s2 =	sor.u32 $0xE040, s10;
	[tilespmem:s30+$0x0] =	vst.add.f32.msk $0xffff, v6;
	s14 =	simm.s32 $0x400  }
.LBB2_17:
0x17e: {  	s8 =	sand.u32 $0x1C00, s14;
	s9 =	sadd.s32 $0x80, s9;
	[tilespmem:s2+$0x0] =	vst.add.f32.msk $0xffff, v2;
	s0 =	sadd.s32 $0x10, s0  }
0x17f: {  	s2 =	sand.u32 $0x380, s0;
	s10 =	sor.u32 s8, s0;
	p1 =	slt.u32 s9, $0x1F80;
	[tilespmem:s17+$0x0] =	vst.add.f32.msk $0xffff, v1  }
0x180: {  	s8 =	sor.u32 s2, s8;
	s10 =	sor.u32 $0x70, s10;
	[tilespmem:s16+$0x0] =	vst.add.f32.msk $0xffff, v0  }
0x181: {  	s15 =	sor.u32 $0xE000, s8;
	s20 =	sor.u32 $0xE010, s8;
	s21 =	sor.u32 $0xE020, s8;
	v0 =	vld [tilespmem:s10+$0x12000]  }
0x182: {  	s22 =	sor.u32 $0xE030, s8;
	s2 =	sor.u32 $0xE040, s8;
	s17 =	sor.u32 $0xE050, s8;
	v3 =	vld [tilespmem:s8+$0x12000]  }
0x183: {  	s16 =	sor.u32 $0xE060, s8;
	v4 =	vld [tilespmem:s8+$0x12010]  }
0x184: {  	v5 =	vld [tilespmem:s8+$0x12020]  }
0x185: {  	v6 =	vld [tilespmem:s8+$0x12030]  }
0x186: {  	[tilespmem:s10+$0xE000] =	vst.add.f32.msk $0xffff, v0  }
0x187: {  	v2 =	vld [tilespmem:s8+$0x12040]  }
0x188: {  	v1 =	vld [tilespmem:s8+$0x12050]  }
.Ltmp9:
0x189: {  	v0 =	vld [tilespmem:s8+$0x12060];
	(pc) =	sbr.rel @p1 .LBB2_17-.Ltmp9, $4  }
0x18a: {  	[tilespmem:s15+$0x0] =	vst.add.f32.msk $0xffff, v3  }
0x18b: {  	[tilespmem:s20+$0x0] =	vst.add.f32.msk $0xffff, v4  }
0x18c: {  	[tilespmem:s21+$0x0] =	vst.add.f32.msk $0xffff, v5  }
0x18d: {  	s14 =	sadd.s32 $0x400, s14;
	[tilespmem:s22+$0x0] =	vst.add.f32.msk $0xffff, v6  }
0x18e: {  	[tilespmem:s2+$0x0] =	vst.add.f32.msk $0xffff, v2  }
0x18f: {  	[tilespmem:s17+$0x0] =	vst.add.f32.msk $0xffff, v1  }
.Ltmp10:
0x190: {  	[tilespmem:s16+$0x0] =	vst.add.f32.msk $0xffff, v0;
	s0 =	sadd.s32 s4, s19;
	s30 =	simm.s32 $0xE000;
	(pc) =	sbr.rel @p0 .LBB2_20-.Ltmp10, $4  }
0x191: {  	[hbm4b:s0+s5] =	stream.linear.scatter [tilespmem:s30], [sflag:$0x10], $0x2000, $0x38;
	[tilespmem:$0x14000] =	vst v63  }
0x192: {  	_ =	swait.ge [sflag:s6], $0x2000  }
0x193: {  	[sflag:s6] =	ssyncset.done $0x0  }
0x194: {  	[sflag:s6] =	ssyncadd.s32 $0xFFFFE000  }
0x195: {  	s0 =	sshrl.u32 s11, $0x2  }
0x196: {  	s0 =	sadd.s32 s18, s0  }
0x197: {  	s2 =	rddreg [dreg:$0xb];
	s0 =	sshll.u32 s0, $0xA  }
0x198: {  	s0 =	sadd.s32 s2, s0  }
0x199: {  	s0 =	sadd.s32 $0x800, s0  }
0x19a: {  	[tilespmem:s31], [sflag:$0x4] =	stream.linear.gather [hbm4b:s0+s5], $0x2000, $0x38;
	[tilespmem:$0x14000] =	vst v63  }
.Ltmp11:
0x19b: {  	s25 =	rddreg [dreg:$0x14];
	(pc) =	sbr.rel .LBB2_2-.Ltmp11, $4  }
0x19c: {  	s0 =	sadd.s32 s25, s12  }
0x19d: {  	s30 =	rddreg [dreg:$0x1];
	s0 =	sshll.u32 s0, $0xA  }
0x19e: {  	s7 =	sadd.s32 $0x1, s7;
	s31 =	simm.s32 $0x12000;
	s0 =	sadd.s32 s30, s0  }
0x19f: {  	[tilespmem:s31], [sflag:$0x12] =	stream.linear.gather [hbm4b:s0+s5], $0x2000, $0x38;
	[tilespmem:$0x14000] =	vst v63  }
.LBB2_21:
0x1a0: {  	_ =	sfence.sel $0x180000  }
0x1a1: {  	[bflag:$0x0] =	sbarrier.arrive $0xFFFF  }
0x1a2: {  	_ =	strace $0x90000047  }
0x1a3: {  	s0 =	stileid.u32;
	[bflag:$0x2] =	sbarrier.arrive $0xFFFF  }
0x1a4: {  	p0 =	sne.s32 s0, $0x0;
	s0 =	rddreg [dreg:$0x3]  }
0x1a5: {  	s0 =	sadd.s32 @!p0 $0x100000, s0  }
0x1a6: {  	[sflag:s0] =	ssyncadd.tile.s32 @!p0 $0x1;
	_ =	shalt  }
.Lfunc_end2:
_tile_overlayer_lowered:
.L_overlay_start_2:
0x1a7: {  	(tag) =	ssettag $0x2  }
0x1a8: {  	s0 =	rddreg [dreg:$0x0];
	s2 =	stileid.u32  }
0x1a9: {  	s1 =	rddreg [dreg:$0x1];
	p0 =	sne.s32 s2, $0x0  }
0x1aa: {  	s3 =	rddreg [dreg:$0x2];
	[bflag:$0x3] =	sbarrier.arrive $0xFFFF;
	s2 =	simm.s32 @!p0 $0x1C13  }
0x1ab: {  	[timem:s3], [sflag:s2] =	dma.local @!p0 [hbm:s0], s1  }
0x1ac: {  	s0 =	simm.s32 @!p0 $0x13  }
0x1ad: {  	_ =	swait.ge @!p0 [sflag:s0], s1  }
0x1ae: {  	s1 =	ssub.s32 @!p0 $0x0, s1;
	[sflag:s0] =	ssyncset.done @!p0 $0x0  }
0x1af: {  	[sflag:s0] =	ssyncadd.s32 @!p0 s1  }
0x1b0: {  	[bflag:$0x3] =	sbarrier.arrive $0xFFFF  }
0x1b1: {  	_ =	shalt  }

</sc_bundles>
